<compile_context>
chip_gen: v7x
topology: tpu7x:2x2x1
jax: 0.10.2.dev20260603
libtpu: 0.0.44.dev20260713+nightly
codegen_flags: <defaults>
</compile_context>

<pallas_src>
import functools

import jax
import jax.numpy as jnp
from jax import lax
from jax.experimental import pallas as pl
from jax.experimental.pallas import tpu as pltpu
from jax.experimental.pallas import tpu_sc as plsc

VOCAB = 100000
EMB = 16
BATCH = 1024
CTX = 20

_NC = 2
_NS = 16
_NW = _NC * _NS
_BPW = BATCH // _NW
_WPW = _BPW * CTX * EMB
_GCHUNK = 128
_NCHUNK = _WPW // _GCHUNK
_GUNROLL = 8
assert _NCHUNK % (2 * _GUNROLL) == 0


def _make_mean_kernel():
    mesh = plsc.VectorSubcoreMesh(core_axis_name="c", subcore_axis_name="s")

    @functools.partial(
        pl.kernel,
        mesh=mesh,
        out_type=jax.ShapeDtypeStruct((BATCH, EMB), jnp.float32),
        scratch_types=[
            pltpu.VMEM((_WPW,), jnp.int32),
            pltpu.VMEM((_WPW,), jnp.float32),
            pltpu.VMEM((_BPW, EMB), jnp.float32),
            pltpu.SemaphoreType.DMA,
            pltpu.SemaphoreType.DMA,
        ],
        compiler_params=pltpu.CompilerParams(use_tc_tiling_on_sc=False),
    )
    def mean_kernel(
        widx_hbm, table_hbm, out_hbm, idx_v, vals_v, mean_v, sem, stage_sem
    ):
        wid = lax.axis_index("s") * _NC + lax.axis_index("c")
        half = _WPW // 2
        stage0 = pltpu.async_copy(
            widx_hbm.at[pl.ds(wid * _WPW, half)],
            idx_v.at[pl.ds(0, half)],
            stage_sem,
        )
        stage1 = pltpu.async_copy(
            widx_hbm.at[pl.ds(wid * _WPW + half, half)],
            idx_v.at[pl.ds(half, half)],
            stage_sem,
        )

        def fire(step, carry):
            base = step * _GUNROLL * _GCHUNK
            for u in range(_GUNROLL):
                off = base + u * _GCHUNK
                pltpu.async_copy(
                    table_hbm.at[idx_v.at[pl.ds(off, _GCHUNK)]],
                    vals_v.at[pl.ds(off, _GCHUNK)],
                    sem,
                )
            return carry

        nhalf_steps = _NCHUNK // _GUNROLL // 2
        stage0.wait()
        lax.fori_loop(0, nhalf_steps, fire, 0)
        stage1.wait()
        lax.fori_loop(nhalf_steps, 2 * nhalf_steps, fire, 0)
        pltpu.make_async_copy(table_hbm.at[pl.ds(0, _WPW)], vals_v, sem).wait()

        scale = jnp.float32(1.0 / CTX)

        def body(i, carry):
            acc = vals_v[pl.ds(i * (CTX * EMB), EMB)]
            for j in range(1, CTX):
                acc = acc + vals_v[pl.ds(i * (CTX * EMB) + j * EMB, EMB)]
            mean_v[i, :] = acc * scale
            return carry

        lax.fori_loop(0, _BPW, body, 0)
        pltpu.sync_copy(mean_v, out_hbm.at[pl.ds(wid * _BPW, _BPW)])

    return mean_kernel


_mean_kernel = _make_mean_kernel()

_VBLK = 2048
_NVB = (VOCAB + _VBLK - 1) // _VBLK
_KA = EMB + 1


def _proj_body(mean_ref, wt_ref, out_ref):
    out_ref[...] = lax.dot_general(
        wt_ref[...],
        mean_ref[...],
        dimension_numbers=(((0,), (1,)), ((), ())),
        preferred_element_type=jnp.float32,
    )


def _projection_t(mean_aug, wt_aug):
    return pl.pallas_call(
        _proj_body,
        grid=(_NVB,),
        in_specs=[
            pl.BlockSpec((BATCH, _KA), lambda i: (0, 0)),
            pl.BlockSpec((_KA, _VBLK), lambda i: (0, i)),
        ],
        out_specs=pl.BlockSpec((_VBLK, BATCH), lambda i: (i, 0)),
        out_shape=jax.ShapeDtypeStruct((VOCAB, BATCH), jnp.float32),
        compiler_params=pltpu.CompilerParams(
            dimension_semantics=("arbitrary",),
        ),
    )(mean_aug, wt_aug)


def kernel(context_words, embeddings, linear_w, linear_b):
    idx = context_words.astype(jnp.int32).reshape(-1)
    widx = (
        idx[:, None] + (jnp.arange(EMB, dtype=jnp.int32) * VOCAB)[None, :]
    ).reshape(-1)
    table_lin = embeddings.T.reshape(-1)
    mean = _mean_kernel(widx, table_lin)
    wt_aug = jnp.concatenate([linear_w.T, linear_b.reshape(1, VOCAB)], axis=0)
    mean_aug = jnp.concatenate(
        [mean, jnp.ones((BATCH, 1), jnp.float32)], axis=1
    )
    out_t = _projection_t(mean_aug, wt_aug)
    return out_t.T

# --- scband reference (transcript-rebuilt; emitter-appended) ---
"""Pipeline reference for scband-word2-vec-model-10067403342065 (READ-ONLY COPY).

The authoritative reference and input builder live on the scoring server;
editing this copy changes nothing except your own understanding.
"""

import jax, jax.numpy as jnp
import numpy as np

VOCAB = 100000
EMB = 16
BATCH = 1024
CTX = 20

def setup_inputs(seed: int = 0) -> dict:
    key = jax.random.key(seed)
    k_idx, k_emb, k_w, k_b = jax.random.split(key, 4)
    context_words = jax.random.randint(k_idx, (BATCH, CTX), 0, VOCAB, dtype=jnp.int64 if jax.config.jax_enable_x64 else jnp.int32)
    embeddings = jax.random.normal(k_emb, (VOCAB, EMB), dtype=jnp.float32) * 0.02
    # torch nn.Linear(embedding_dim, vocab_size): weight shape [vocab, emb], bias [vocab]
    linear_w = jax.random.normal(k_w, (VOCAB, EMB), dtype=jnp.float32) * 0.02
    linear_b = jnp.zeros((VOCAB,), dtype=jnp.float32)
    return {"context_words": context_words, "embeddings": embeddings, "linear_w": linear_w, "linear_b": linear_b}

def reference(context_words, embeddings, linear_w, linear_b):
    # Embedding lookup (gather): [B, CTX, EMB]
    context_embeddings = jnp.take(embeddings, context_words, axis=0)
    # CBOW mean over context window: [B, EMB]
    context_mean = jnp.mean(context_embeddings, axis=1)
    # Dropout is identity at inference (eval mode)
    # Output projection to vocab: [B, VOCAB]
    output = context_mean @ linear_w.T + linear_b
    return output

if __name__ == "__main__":
    import jax
    _d = setup_inputs()
    print(jax.jit(kernel)(*tuple(_d.values())))

</pallas_src>

<mosaic_0001>
#map = affine_map<(d0, d1) -> (0)>
#map1 = affine_map<(d0, d1) -> (0, 0)>
module attributes {stable_mosaic.version = 14 : i64} {
  func.func @mean_kernel(%arg0: i32, %arg1: i32, %arg2: memref<327680xi32, #tpu.memory_space<hbm>>, %arg3: memref<1600000xf32, #tpu.memory_space<hbm>>, %arg4: memref<1024x16xf32, #tpu.memory_space<hbm>>, %arg5: memref<10240xi32, #tpu.memory_space<vmem>>, %arg6: memref<10240xf32, #tpu.memory_space<vmem>>, %arg7: memref<32x16xf32, #tpu.memory_space<vmem>>, %arg8: memref<!tpu.dma_semaphore, #tpu.memory_space<semaphore_mem>>, %arg9: memref<!tpu.dma_semaphore, #tpu.memory_space<semaphore_mem>>) attributes {dimension_semantics = [#tpu.dimension_semantics<core_parallel>, #tpu.dimension_semantics<subcore_parallel>], iteration_bounds = array<i64: 2, 16>, scalar_prefetch = 0 : i64, scratch_operands = 5 : i64, tpu.core_type = #tpu.core_type<sc_vector_subcore>, window_params = [{transform_indices = #map}, {transform_indices = #map}, {transform_indices = #map1}]} {
    %mul3A = arith.constant 2 : i32
    %mul3A_0 = arith.muli %arg1, %mul3A : i32
    %add3A = arith.addi %mul3A_0, %arg0 : i32
    %mul3A_1 = arith.constant 10240 : i32
    %mul3A_2 = arith.muli %add3A, %mul3A_1 : i32
    %dma_start3A = arith.constant 0 : i32
    %dma_start3A_3 = tpu.memref_slice %arg5[%dma_start3A] : memref<10240xi32, #tpu.memory_space<vmem>> -> memref<5120xi32, #tpu.memory_space<vmem>>
    %dma_start3A_4 = tpu.memref_slice %arg2[%mul3A_2] : memref<327680xi32, #tpu.memory_space<hbm>> -> memref<5120xi32, #tpu.memory_space<hbm>>
    %dma_start3A_5 = arith.constant 0 : i32
    %dma_start3A_6 = tpu.memref_slice %arg5[%dma_start3A_5] : memref<10240xi32, #tpu.memory_space<vmem>> -> memref<5120xi32, #tpu.memory_space<vmem>>
    %dma_start3A_7 = tpu.memref_slice %arg2[%mul3A_2] : memref<327680xi32, #tpu.memory_space<hbm>> -> memref<5120xi32, #tpu.memory_space<hbm>>
    tpu.enqueue_dma source(%dma_start3A_7 : memref<5120xi32, #tpu.memory_space<hbm>>) target(%dma_start3A_6 : memref<5120xi32, #tpu.memory_space<vmem>>) target_semaphore(%arg9 : memref<!tpu.dma_semaphore, #tpu.memory_space<semaphore_mem>>)
    %mul3A_8 = arith.constant 10240 : i32
    %mul3A_9 = arith.muli %add3A, %mul3A_8 : i32
    %add3A_10 = arith.constant 5120 : i32
    %add3A_11 = arith.addi %mul3A_9, %add3A_10 : i32
    %dma_start3A_12 = arith.constant 5120 : i32
    %dma_start3A_13 = tpu.memref_slice %arg5[%dma_start3A_12] : memref<10240xi32, #tpu.memory_space<vmem>> -> memref<5120xi32, #tpu.memory_space<vmem>>
    %dma_start3A_14 = tpu.memref_slice %arg2[%add3A_11] : memref<327680xi32, #tpu.memory_space<hbm>> -> memref<5120xi32, #tpu.memory_space<hbm>>
    %dma_start3A_15 = arith.constant 5120 : i32
    %dma_start3A_16 = tpu.memref_slice %arg5[%dma_start3A_15] : memref<10240xi32, #tpu.memory_space<vmem>> -> memref<5120xi32, #tpu.memory_space<vmem>>
    %dma_start3A_17 = tpu.memref_slice %arg2[%add3A_11] : memref<327680xi32, #tpu.memory_space<hbm>> -> memref<5120xi32, #tpu.memory_space<hbm>>
    tpu.enqueue_dma source(%dma_start3A_17 : memref<5120xi32, #tpu.memory_space<hbm>>) target(%dma_start3A_16 : memref<5120xi32, #tpu.memory_space<vmem>>) target_semaphore(%arg9 : memref<!tpu.dma_semaphore, #tpu.memory_space<semaphore_mem>>)
    %dma_wait3A = arith.constant 0 : i32
    %dma_wait3A_18 = tpu.memref_slice %arg5[%dma_wait3A] : memref<10240xi32, #tpu.memory_space<vmem>> -> memref<5120xi32, #tpu.memory_space<vmem>>
    %dma_wait3A_19 = tpu.memref_slice %arg2[%mul3A_2] : memref<327680xi32, #tpu.memory_space<hbm>> -> memref<5120xi32, #tpu.memory_space<hbm>>
    %dma_wait3A_20 = arith.constant 0 : i32
    %dma_wait3A_21 = tpu.memref_slice %arg5[%dma_wait3A_20] : memref<10240xi32, #tpu.memory_space<vmem>> -> memref<5120xi32, #tpu.memory_space<vmem>>
    %dma_wait3A_22 = tpu.memref_slice %arg2[%mul3A_2] : memref<327680xi32, #tpu.memory_space<hbm>> -> memref<5120xi32, #tpu.memory_space<hbm>>
    tpu.wait_dma2 semaphore(%arg9 : memref<!tpu.dma_semaphore, #tpu.memory_space<semaphore_mem>>) src(%dma_wait3A_22 : memref<5120xi32, #tpu.memory_space<hbm>>) dst(%dma_wait3A_21 : memref<5120xi32, #tpu.memory_space<vmem>>)
    %scan3A = arith.constant 0 : i32
    %scan3A_23 = arith.constant 0 : i32
    %scan3A_24 = arith.constant 5 : i32
    %scan3A_25 = arith.addi %scan3A_23, %scan3A_24 : i32
    %scan3A_26 = arith.constant 1 : i32
    scf.for %scan3A_53 = %scan3A_23 to %scan3A_25 step %scan3A_26  : i32 {
      %mul3A_54 = arith.constant 8 : i32
      %mul3A_55 = arith.muli %scan3A_53, %mul3A_54 : i32
      %mul3A_56 = arith.constant 128 : i32
      %mul3A_57 = arith.muli %mul3A_55, %mul3A_56 : i32
      %add3A_58 = arith.constant 0 : i32
      %add3A_59 = arith.addi %mul3A_57, %add3A_58 : i32
      %dma_start3A_60 = tpu.memref_slice %arg6[%add3A_59] : memref<10240xf32, #tpu.memory_space<vmem>> -> memref<128xf32, #tpu.memory_space<vmem>>
      %dma_start3A_61 = tpu.memref_slice %arg5[%add3A_59] : memref<10240xi32, #tpu.memory_space<vmem>> -> memref<128xi32, #tpu.memory_space<vmem>>
      %dma_start3A_62 = arith.constant 0 : i32
      %dma_start3A_63 = tpu.memref_slice %arg3[%dma_start3A_62] : memref<1600000xf32, #tpu.memory_space<hbm>> -> memref<1600000xf32, #tpu.memory_space<hbm>>
      tpu.enqueue_indirect_dma source(%dma_start3A_63 : memref<1600000xf32, #tpu.memory_space<hbm>>) target(%dma_start3A_60 : memref<128xf32, #tpu.memory_space<vmem>>) offsets(%dma_start3A_61 : memref<128xi32, #tpu.memory_space<vmem>>) semaphore(%arg8 : memref<!tpu.dma_semaphore, #tpu.memory_space<semaphore_mem>>)
      %add3A_64 = arith.constant 128 : i32
      %add3A_65 = arith.addi %mul3A_57, %add3A_64 : i32
      %dma_start3A_66 = tpu.memref_slice %arg6[%add3A_65] : memref<10240xf32, #tpu.memory_space<vmem>> -> memref<128xf32, #tpu.memory_space<vmem>>
      %dma_start3A_67 = tpu.memref_slice %arg5[%add3A_65] : memref<10240xi32, #tpu.memory_space<vmem>> -> memref<128xi32, #tpu.memory_space<vmem>>
      %dma_start3A_68 = arith.constant 0 : i32
      %dma_start3A_69 = tpu.memref_slice %arg3[%dma_start3A_68] : memref<1600000xf32, #tpu.memory_space<hbm>> -> memref<1600000xf32, #tpu.memory_space<hbm>>
      tpu.enqueue_indirect_dma source(%dma_start3A_69 : memref<1600000xf32, #tpu.memory_space<hbm>>) target(%dma_start3A_66 : memref<128xf32, #tpu.memory_space<vmem>>) offsets(%dma_start3A_67 : memref<128xi32, #tpu.memory_space<vmem>>) semaphore(%arg8 : memref<!tpu.dma_semaphore, #tpu.memory_space<semaphore_mem>>)
      %add3A_70 = arith.constant 256 : i32
      %add3A_71 = arith.addi %mul3A_57, %add3A_70 : i32
      %dma_start3A_72 = tpu.memref_slice %arg6[%add3A_71] : memref<10240xf32, #tpu.memory_space<vmem>> -> memref<128xf32, #tpu.memory_space<vmem>>
      %dma_start3A_73 = tpu.memref_slice %arg5[%add3A_71] : memref<10240xi32, #tpu.memory_space<vmem>> -> memref<128xi32, #tpu.memory_space<vmem>>
      %dma_start3A_74 = arith.constant 0 : i32
      %dma_start3A_75 = tpu.memref_slice %arg3[%dma_start3A_74] : memref<1600000xf32, #tpu.memory_space<hbm>> -> memref<1600000xf32, #tpu.memory_space<hbm>>
      tpu.enqueue_indirect_dma source(%dma_start3A_75 : memref<1600000xf32, #tpu.memory_space<hbm>>) target(%dma_start3A_72 : memref<128xf32, #tpu.memory_space<vmem>>) offsets(%dma_start3A_73 : memref<128xi32, #tpu.memory_space<vmem>>) semaphore(%arg8 : memref<!tpu.dma_semaphore, #tpu.memory_space<semaphore_mem>>)
      %add3A_76 = arith.constant 384 : i32
      %add3A_77 = arith.addi %mul3A_57, %add3A_76 : i32
      %dma_start3A_78 = tpu.memref_slice %arg6[%add3A_77] : memref<10240xf32, #tpu.memory_space<vmem>> -> memref<128xf32, #tpu.memory_space<vmem>>
      %dma_start3A_79 = tpu.memref_slice %arg5[%add3A_77] : memref<10240xi32, #tpu.memory_space<vmem>> -> memref<128xi32, #tpu.memory_space<vmem>>
      %dma_start3A_80 = arith.constant 0 : i32
      %dma_start3A_81 = tpu.memref_slice %arg3[%dma_start3A_80] : memref<1600000xf32, #tpu.memory_space<hbm>> -> memref<1600000xf32, #tpu.memory_space<hbm>>
      tpu.enqueue_indirect_dma source(%dma_start3A_81 : memref<1600000xf32, #tpu.memory_space<hbm>>) target(%dma_start3A_78 : memref<128xf32, #tpu.memory_space<vmem>>) offsets(%dma_start3A_79 : memref<128xi32, #tpu.memory_space<vmem>>) semaphore(%arg8 : memref<!tpu.dma_semaphore, #tpu.memory_space<semaphore_mem>>)
      %add3A_82 = arith.constant 512 : i32
      %add3A_83 = arith.addi %mul3A_57, %add3A_82 : i32
      %dma_start3A_84 = tpu.memref_slice %arg6[%add3A_83] : memref<10240xf32, #tpu.memory_space<vmem>> -> memref<128xf32, #tpu.memory_space<vmem>>
      %dma_start3A_85 = tpu.memref_slice %arg5[%add3A_83] : memref<10240xi32, #tpu.memory_space<vmem>> -> memref<128xi32, #tpu.memory_space<vmem>>
      %dma_start3A_86 = arith.constant 0 : i32
      %dma_start3A_87 = tpu.memref_slice %arg3[%dma_start3A_86] : memref<1600000xf32, #tpu.memory_space<hbm>> -> memref<1600000xf32, #tpu.memory_space<hbm>>
      tpu.enqueue_indirect_dma source(%dma_start3A_87 : memref<1600000xf32, #tpu.memory_space<hbm>>) target(%dma_start3A_84 : memref<128xf32, #tpu.memory_space<vmem>>) offsets(%dma_start3A_85 : memref<128xi32, #tpu.memory_space<vmem>>) semaphore(%arg8 : memref<!tpu.dma_semaphore, #tpu.memory_space<semaphore_mem>>)
      %add3A_88 = arith.constant 640 : i32
      %add3A_89 = arith.addi %mul3A_57, %add3A_88 : i32
      %dma_start3A_90 = tpu.memref_slice %arg6[%add3A_89] : memref<10240xf32, #tpu.memory_space<vmem>> -> memref<128xf32, #tpu.memory_space<vmem>>
      %dma_start3A_91 = tpu.memref_slice %arg5[%add3A_89] : memref<10240xi32, #tpu.memory_space<vmem>> -> memref<128xi32, #tpu.memory_space<vmem>>
      %dma_start3A_92 = arith.constant 0 : i32
      %dma_start3A_93 = tpu.memref_slice %arg3[%dma_start3A_92] : memref<1600000xf32, #tpu.memory_space<hbm>> -> memref<1600000xf32, #tpu.memory_space<hbm>>
      tpu.enqueue_indirect_dma source(%dma_start3A_93 : memref<1600000xf32, #tpu.memory_space<hbm>>) target(%dma_start3A_90 : memref<128xf32, #tpu.memory_space<vmem>>) offsets(%dma_start3A_91 : memref<128xi32, #tpu.memory_space<vmem>>) semaphore(%arg8 : memref<!tpu.dma_semaphore, #tpu.memory_space<semaphore_mem>>)
      %add3A_94 = arith.constant 768 : i32
      %add3A_95 = arith.addi %mul3A_57, %add3A_94 : i32
      %dma_start3A_96 = tpu.memref_slice %arg6[%add3A_95] : memref<10240xf32, #tpu.memory_space<vmem>> -> memref<128xf32, #tpu.memory_space<vmem>>
      %dma_start3A_97 = tpu.memref_slice %arg5[%add3A_95] : memref<10240xi32, #tpu.memory_space<vmem>> -> memref<128xi32, #tpu.memory_space<vmem>>
      %dma_start3A_98 = arith.constant 0 : i32
      %dma_start3A_99 = tpu.memref_slice %arg3[%dma_start3A_98] : memref<1600000xf32, #tpu.memory_space<hbm>> -> memref<1600000xf32, #tpu.memory_space<hbm>>
      tpu.enqueue_indirect_dma source(%dma_start3A_99 : memref<1600000xf32, #tpu.memory_space<hbm>>) target(%dma_start3A_96 : memref<128xf32, #tpu.memory_space<vmem>>) offsets(%dma_start3A_97 : memref<128xi32, #tpu.memory_space<vmem>>) semaphore(%arg8 : memref<!tpu.dma_semaphore, #tpu.memory_space<semaphore_mem>>)
      %add3A_100 = arith.constant 896 : i32
      %add3A_101 = arith.addi %mul3A_57, %add3A_100 : i32
      %dma_start3A_102 = tpu.memref_slice %arg6[%add3A_101] : memref<10240xf32, #tpu.memory_space<vmem>> -> memref<128xf32, #tpu.memory_space<vmem>>
      %dma_start3A_103 = tpu.memref_slice %arg5[%add3A_101] : memref<10240xi32, #tpu.memory_space<vmem>> -> memref<128xi32, #tpu.memory_space<vmem>>
      %dma_start3A_104 = arith.constant 0 : i32
      %dma_start3A_105 = tpu.memref_slice %arg3[%dma_start3A_104] : memref<1600000xf32, #tpu.memory_space<hbm>> -> memref<1600000xf32, #tpu.memory_space<hbm>>
      tpu.enqueue_indirect_dma source(%dma_start3A_105 : memref<1600000xf32, #tpu.memory_space<hbm>>) target(%dma_start3A_102 : memref<128xf32, #tpu.memory_space<vmem>>) offsets(%dma_start3A_103 : memref<128xi32, #tpu.memory_space<vmem>>) semaphore(%arg8 : memref<!tpu.dma_semaphore, #tpu.memory_space<semaphore_mem>>)
    }
    %scan3A_27 = arith.constant 5 : i32
    %dma_wait3A_28 = arith.constant 5120 : i32
    %dma_wait3A_29 = tpu.memref_slice %arg5[%dma_wait3A_28] : memref<10240xi32, #tpu.memory_space<vmem>> -> memref<5120xi32, #tpu.memory_space<vmem>>
    %dma_wait3A_30 = tpu.memref_slice %arg2[%add3A_11] : memref<327680xi32, #tpu.memory_space<hbm>> -> memref<5120xi32, #tpu.memory_space<hbm>>
    %dma_wait3A_31 = arith.constant 5120 : i32
    %dma_wait3A_32 = tpu.memref_slice %arg5[%dma_wait3A_31] : memref<10240xi32, #tpu.memory_space<vmem>> -> memref<5120xi32, #tpu.memory_space<vmem>>
    %dma_wait3A_33 = tpu.memref_slice %arg2[%add3A_11] : memref<327680xi32, #tpu.memory_space<hbm>> -> memref<5120xi32, #tpu.memory_space<hbm>>
    tpu.wait_dma2 semaphore(%arg9 : memref<!tpu.dma_semaphore, #tpu.memory_space<semaphore_mem>>) src(%dma_wait3A_33 : memref<5120xi32, #tpu.memory_space<hbm>>) dst(%dma_wait3A_32 : memref<5120xi32, #tpu.memory_space<vmem>>)
    %scan3A_34 = arith.constant 0 : i32
    %scan3A_35 = arith.constant 5 : i32
    %scan3A_36 = arith.constant 5 : i32
    %scan3A_37 = arith.addi %scan3A_35, %scan3A_36 : i32
    %scan3A_38 = arith.constant 1 : i32
    scf.for %scan3A_53 = %scan3A_35 to %scan3A_37 step %scan3A_38  : i32 {
      %mul3A_54 = arith.constant 8 : i32
      %mul3A_55 = arith.muli %scan3A_53, %mul3A_54 : i32
      %mul3A_56 = arith.constant 128 : i32
      %mul3A_57 = arith.muli %mul3A_55, %mul3A_56 : i32
      %add3A_58 = arith.constant 0 : i32
      %add3A_59 = arith.addi %mul3A_57, %add3A_58 : i32
      %dma_start3A_60 = tpu.memref_slice %arg6[%add3A_59] : memref<10240xf32, #tpu.memory_space<vmem>> -> memref<128xf32, #tpu.memory_space<vmem>>
      %dma_start3A_61 = tpu.memref_slice %arg5[%add3A_59] : memref<10240xi32, #tpu.memory_space<vmem>> -> memref<128xi32, #tpu.memory_space<vmem>>
      %dma_start3A_62 = arith.constant 0 : i32
      %dma_start3A_63 = tpu.memref_slice %arg3[%dma_start3A_62] : memref<1600000xf32, #tpu.memory_space<hbm>> -> memref<1600000xf32, #tpu.memory_space<hbm>>
      tpu.enqueue_indirect_dma source(%dma_start3A_63 : memref<1600000xf32, #tpu.memory_space<hbm>>) target(%dma_start3A_60 : memref<128xf32, #tpu.memory_space<vmem>>) offsets(%dma_start3A_61 : memref<128xi32, #tpu.memory_space<vmem>>) semaphore(%arg8 : memref<!tpu.dma_semaphore, #tpu.memory_space<semaphore_mem>>)
      %add3A_64 = arith.constant 128 : i32
      %add3A_65 = arith.addi %mul3A_57, %add3A_64 : i32
      %dma_start3A_66 = tpu.memref_slice %arg6[%add3A_65] : memref<10240xf32, #tpu.memory_space<vmem>> -> memref<128xf32, #tpu.memory_space<vmem>>
      %dma_start3A_67 = tpu.memref_slice %arg5[%add3A_65] : memref<10240xi32, #tpu.memory_space<vmem>> -> memref<128xi32, #tpu.memory_space<vmem>>
      %dma_start3A_68 = arith.constant 0 : i32
      %dma_start3A_69 = tpu.memref_slice %arg3[%dma_start3A_68] : memref<1600000xf32, #tpu.memory_space<hbm>> -> memref<1600000xf32, #tpu.memory_space<hbm>>
      tpu.enqueue_indirect_dma source(%dma_start3A_69 : memref<1600000xf32, #tpu.memory_space<hbm>>) target(%dma_start3A_66 : memref<128xf32, #tpu.memory_space<vmem>>) offsets(%dma_start3A_67 : memref<128xi32, #tpu.memory_space<vmem>>) semaphore(%arg8 : memref<!tpu.dma_semaphore, #tpu.memory_space<semaphore_mem>>)
      %add3A_70 = arith.constant 256 : i32
      %add3A_71 = arith.addi %mul3A_57, %add3A_70 : i32
      %dma_start3A_72 = tpu.memref_slice %arg6[%add3A_71] : memref<10240xf32, #tpu.memory_space<vmem>> -> memref<128xf32, #tpu.memory_space<vmem>>
      %dma_start3A_73 = tpu.memref_slice %arg5[%add3A_71] : memref<10240xi32, #tpu.memory_space<vmem>> -> memref<128xi32, #tpu.memory_space<vmem>>
      %dma_start3A_74 = arith.constant 0 : i32
      %dma_start3A_75 = tpu.memref_slice %arg3[%dma_start3A_74] : memref<1600000xf32, #tpu.memory_space<hbm>> -> memref<1600000xf32, #tpu.memory_space<hbm>>
      tpu.enqueue_indirect_dma source(%dma_start3A_75 : memref<1600000xf32, #tpu.memory_space<hbm>>) target(%dma_start3A_72 : memref<128xf32, #tpu.memory_space<vmem>>) offsets(%dma_start3A_73 : memref<128xi32, #tpu.memory_space<vmem>>) semaphore(%arg8 : memref<!tpu.dma_semaphore, #tpu.memory_space<semaphore_mem>>)
      %add3A_76 = arith.constant 384 : i32
      %add3A_77 = arith.addi %mul3A_57, %add3A_76 : i32
      %dma_start3A_78 = tpu.memref_slice %arg6[%add3A_77] : memref<10240xf32, #tpu.memory_space<vmem>> -> memref<128xf32, #tpu.memory_space<vmem>>
      %dma_start3A_79 = tpu.memref_slice %arg5[%add3A_77] : memref<10240xi32, #tpu.memory_space<vmem>> -> memref<128xi32, #tpu.memory_space<vmem>>
      %dma_start3A_80 = arith.constant 0 : i32
      %dma_start3A_81 = tpu.memref_slice %arg3[%dma_start3A_80] : memref<1600000xf32, #tpu.memory_space<hbm>> -> memref<1600000xf32, #tpu.memory_space<hbm>>
      tpu.enqueue_indirect_dma source(%dma_start3A_81 : memref<1600000xf32, #tpu.memory_space<hbm>>) target(%dma_start3A_78 : memref<128xf32, #tpu.memory_space<vmem>>) offsets(%dma_start3A_79 : memref<128xi32, #tpu.memory_space<vmem>>) semaphore(%arg8 : memref<!tpu.dma_semaphore, #tpu.memory_space<semaphore_mem>>)
      %add3A_82 = arith.constant 512 : i32
      %add3A_83 = arith.addi %mul3A_57, %add3A_82 : i32
      %dma_start3A_84 = tpu.memref_slice %arg6[%add3A_83] : memref<10240xf32, #tpu.memory_space<vmem>> -> memref<128xf32, #tpu.memory_space<vmem>>
      %dma_start3A_85 = tpu.memref_slice %arg5[%add3A_83] : memref<10240xi32, #tpu.memory_space<vmem>> -> memref<128xi32, #tpu.memory_space<vmem>>
      %dma_start3A_86 = arith.constant 0 : i32
      %dma_start3A_87 = tpu.memref_slice %arg3[%dma_start3A_86] : memref<1600000xf32, #tpu.memory_space<hbm>> -> memref<1600000xf32, #tpu.memory_space<hbm>>
      tpu.enqueue_indirect_dma source(%dma_start3A_87 : memref<1600000xf32, #tpu.memory_space<hbm>>) target(%dma_start3A_84 : memref<128xf32, #tpu.memory_space<vmem>>) offsets(%dma_start3A_85 : memref<128xi32, #tpu.memory_space<vmem>>) semaphore(%arg8 : memref<!tpu.dma_semaphore, #tpu.memory_space<semaphore_mem>>)
      %add3A_88 = arith.constant 640 : i32
      %add3A_89 = arith.addi %mul3A_57, %add3A_88 : i32
      %dma_start3A_90 = tpu.memref_slice %arg6[%add3A_89] : memref<10240xf32, #tpu.memory_space<vmem>> -> memref<128xf32, #tpu.memory_space<vmem>>
      %dma_start3A_91 = tpu.memref_slice %arg5[%add3A_89] : memref<10240xi32, #tpu.memory_space<vmem>> -> memref<128xi32, #tpu.memory_space<vmem>>
      %dma_start3A_92 = arith.constant 0 : i32
      %dma_start3A_93 = tpu.memref_slice %arg3[%dma_start3A_92] : memref<1600000xf32, #tpu.memory_space<hbm>> -> memref<1600000xf32, #tpu.memory_space<hbm>>
      tpu.enqueue_indirect_dma source(%dma_start3A_93 : memref<1600000xf32, #tpu.memory_space<hbm>>) target(%dma_start3A_90 : memref<128xf32, #tpu.memory_space<vmem>>) offsets(%dma_start3A_91 : memref<128xi32, #tpu.memory_space<vmem>>) semaphore(%arg8 : memref<!tpu.dma_semaphore, #tpu.memory_space<semaphore_mem>>)
      %add3A_94 = arith.constant 768 : i32
      %add3A_95 = arith.addi %mul3A_57, %add3A_94 : i32
      %dma_start3A_96 = tpu.memref_slice %arg6[%add3A_95] : memref<10240xf32, #tpu.memory_space<vmem>> -> memref<128xf32, #tpu.memory_space<vmem>>
      %dma_start3A_97 = tpu.memref_slice %arg5[%add3A_95] : memref<10240xi32, #tpu.memory_space<vmem>> -> memref<128xi32, #tpu.memory_space<vmem>>
      %dma_start3A_98 = arith.constant 0 : i32
      %dma_start3A_99 = tpu.memref_slice %arg3[%dma_start3A_98] : memref<1600000xf32, #tpu.memory_space<hbm>> -> memref<1600000xf32, #tpu.memory_space<hbm>>
      tpu.enqueue_indirect_dma source(%dma_start3A_99 : memref<1600000xf32, #tpu.memory_space<hbm>>) target(%dma_start3A_96 : memref<128xf32, #tpu.memory_space<vmem>>) offsets(%dma_start3A_97 : memref<128xi32, #tpu.memory_space<vmem>>) semaphore(%arg8 : memref<!tpu.dma_semaphore, #tpu.memory_space<semaphore_mem>>)
      %add3A_100 = arith.constant 896 : i32
      %add3A_101 = arith.addi %mul3A_57, %add3A_100 : i32
      %dma_start3A_102 = tpu.memref_slice %arg6[%add3A_101] : memref<10240xf32, #tpu.memory_space<vmem>> -> memref<128xf32, #tpu.memory_space<vmem>>
      %dma_start3A_103 = tpu.memref_slice %arg5[%add3A_101] : memref<10240xi32, #tpu.memory_space<vmem>> -> memref<128xi32, #tpu.memory_space<vmem>>
      %dma_start3A_104 = arith.constant 0 : i32
      %dma_start3A_105 = tpu.memref_slice %arg3[%dma_start3A_104] : memref<1600000xf32, #tpu.memory_space<hbm>> -> memref<1600000xf32, #tpu.memory_space<hbm>>
      tpu.enqueue_indirect_dma source(%dma_start3A_105 : memref<1600000xf32, #tpu.memory_space<hbm>>) target(%dma_start3A_102 : memref<128xf32, #tpu.memory_space<vmem>>) offsets(%dma_start3A_103 : memref<128xi32, #tpu.memory_space<vmem>>) semaphore(%arg8 : memref<!tpu.dma_semaphore, #tpu.memory_space<semaphore_mem>>)
    }
    %scan3A_39 = arith.constant 5 : i32
    %dma_wait3A_40 = arith.constant 0 : i32
    %dma_wait3A_41 = tpu.memref_slice %arg3[%dma_wait3A_40] : memref<1600000xf32, #tpu.memory_space<hbm>> -> memref<10240xf32, #tpu.memory_space<hbm>>
    %dma_wait3A_42 = arith.constant 0 : i32
    %dma_wait3A_43 = tpu.memref_slice %arg3[%dma_wait3A_42] : memref<1600000xf32, #tpu.memory_space<hbm>> -> memref<10240xf32, #tpu.memory_space<hbm>>
    tpu.wait_dma2 semaphore(%arg8 : memref<!tpu.dma_semaphore, #tpu.memory_space<semaphore_mem>>) src(%dma_wait3A_43 : memref<10240xf32, #tpu.memory_space<hbm>>) dst(%arg6 : memref<10240xf32, #tpu.memory_space<vmem>>)
    %scan3A_44 = arith.constant 0 : i32
    %scan3A_45 = arith.constant 5.000000e-02 : f32
    %scan3A_46 = arith.constant 0 : i32
    %scan3A_47 = arith.constant 32 : i32
    %scan3A_48 = arith.addi %scan3A_46, %scan3A_47 : i32
    %scan3A_49 = arith.constant 1 : i32
    scf.for %scan3A_53 = %scan3A_46 to %scan3A_48 step %scan3A_49  : i32 {
      %mul3A_54 = arith.constant 320 : i32
      %mul3A_55 = arith.muli %scan3A_53, %mul3A_54 : i32
      %get3A = arith.index_cast %mul3A_55 : i32 to index
      %get3A_56 = tpu.vector_load %arg6[%get3A] {strides = array<i32>} : memref<10240xf32, #tpu.memory_space<vmem>>, vector<16xf32>,
      %get3A_57 = vector.shape_cast %get3A_56 : vector<16xf32> to vector<16xf32>
      %mul3A_58 = arith.constant 320 : i32
      %mul3A_59 = arith.muli %scan3A_53, %mul3A_58 : i32
      %add3A_60 = arith.constant 16 : i32
      %add3A_61 = arith.addi %mul3A_59, %add3A_60 : i32
      %get3A_62 = arith.index_cast %add3A_61 : i32 to index
      %get3A_63 = tpu.vector_load %arg6[%get3A_62] {strides = array<i32>} : memref<10240xf32, #tpu.memory_space<vmem>>, vector<16xf32>,
      %get3A_64 = vector.shape_cast %get3A_63 : vector<16xf32> to vector<16xf32>
      %add3A_65 = arith.addf %get3A_57, %get3A_64 : vector<16xf32>
      %mul3A_66 = arith.constant 320 : i32
      %mul3A_67 = arith.muli %scan3A_53, %mul3A_66 : i32
      %add3A_68 = arith.constant 32 : i32
      %add3A_69 = arith.addi %mul3A_67, %add3A_68 : i32
      %get3A_70 = arith.index_cast %add3A_69 : i32 to index
      %get3A_71 = tpu.vector_load %arg6[%get3A_70] {strides = array<i32>} : memref<10240xf32, #tpu.memory_space<vmem>>, vector<16xf32>,
      %get3A_72 = vector.shape_cast %get3A_71 : vector<16xf32> to vector<16xf32>
      %add3A_73 = arith.addf %add3A_65, %get3A_72 : vector<16xf32>
      %mul3A_74 = arith.constant 320 : i32
      %mul3A_75 = arith.muli %scan3A_53, %mul3A_74 : i32
      %add3A_76 = arith.constant 48 : i32
      %add3A_77 = arith.addi %mul3A_75, %add3A_76 : i32
      %get3A_78 = arith.index_cast %add3A_77 : i32 to index
      %get3A_79 = tpu.vector_load %arg6[%get3A_78] {strides = array<i32>} : memref<10240xf32, #tpu.memory_space<vmem>>, vector<16xf32>,
      %get3A_80 = vector.shape_cast %get3A_79 : vector<16xf32> to vector<16xf32>
      %add3A_81 = arith.addf %add3A_73, %get3A_80 : vector<16xf32>
      %mul3A_82 = arith.constant 320 : i32
      %mul3A_83 = arith.muli %scan3A_53, %mul3A_82 : i32
      %add3A_84 = arith.constant 64 : i32
      %add3A_85 = arith.addi %mul3A_83, %add3A_84 : i32
      %get3A_86 = arith.index_cast %add3A_85 : i32 to index
      %get3A_87 = tpu.vector_load %arg6[%get3A_86] {strides = array<i32>} : memref<10240xf32, #tpu.memory_space<vmem>>, vector<16xf32>,
      %get3A_88 = vector.shape_cast %get3A_87 : vector<16xf32> to vector<16xf32>
      %add3A_89 = arith.addf %add3A_81, %get3A_88 : vector<16xf32>
      %mul3A_90 = arith.constant 320 : i32
      %mul3A_91 = arith.muli %scan3A_53, %mul3A_90 : i32
      %add3A_92 = arith.constant 80 : i32
      %add3A_93 = arith.addi %mul3A_91, %add3A_92 : i32
      %get3A_94 = arith.index_cast %add3A_93 : i32 to index
      %get3A_95 = tpu.vector_load %arg6[%get3A_94] {strides = array<i32>} : memref<10240xf32, #tpu.memory_space<vmem>>, vector<16xf32>,
      %get3A_96 = vector.shape_cast %get3A_95 : vector<16xf32> to vector<16xf32>
      %add3A_97 = arith.addf %add3A_89, %get3A_96 : vector<16xf32>
      %mul3A_98 = arith.constant 320 : i32
      %mul3A_99 = arith.muli %scan3A_53, %mul3A_98 : i32
      %add3A_100 = arith.constant 96 : i32
      %add3A_101 = arith.addi %mul3A_99, %add3A_100 : i32
      %get3A_102 = arith.index_cast %add3A_101 : i32 to index
      %get3A_103 = tpu.vector_load %arg6[%get3A_102] {strides = array<i32>} : memref<10240xf32, #tpu.memory_space<vmem>>, vector<16xf32>,
      %get3A_104 = vector.shape_cast %get3A_103 : vector<16xf32> to vector<16xf32>
      %add3A_105 = arith.addf %add3A_97, %get3A_104 : vector<16xf32>
      %mul3A_106 = arith.constant 320 : i32
      %mul3A_107 = arith.muli %scan3A_53, %mul3A_106 : i32
      %add3A_108 = arith.constant 112 : i32
      %add3A_109 = arith.addi %mul3A_107, %add3A_108 : i32
      %get3A_110 = arith.index_cast %add3A_109 : i32 to index
      %get3A_111 = tpu.vector_load %arg6[%get3A_110] {strides = array<i32>} : memref<10240xf32, #tpu.memory_space<vmem>>, vector<16xf32>,
      %get3A_112 = vector.shape_cast %get3A_111 : vector<16xf32> to vector<16xf32>
      %add3A_113 = arith.addf %add3A_105, %get3A_112 : vector<16xf32>
      %mul3A_114 = arith.constant 320 : i32
      %mul3A_115 = arith.muli %scan3A_53, %mul3A_114 : i32
      %add3A_116 = arith.constant 128 : i32
      %add3A_117 = arith.addi %mul3A_115, %add3A_116 : i32
      %get3A_118 = arith.index_cast %add3A_117 : i32 to index
      %get3A_119 = tpu.vector_load %arg6[%get3A_118] {strides = array<i32>} : memref<10240xf32, #tpu.memory_space<vmem>>, vector<16xf32>,
      %get3A_120 = vector.shape_cast %get3A_119 : vector<16xf32> to vector<16xf32>
      %add3A_121 = arith.addf %add3A_113, %get3A_120 : vector<16xf32>
      %mul3A_122 = arith.constant 320 : i32
      %mul3A_123 = arith.muli %scan3A_53, %mul3A_122 : i32
      %add3A_124 = arith.constant 144 : i32
      %add3A_125 = arith.addi %mul3A_123, %add3A_124 : i32
      %get3A_126 = arith.index_cast %add3A_125 : i32 to index
      %get3A_127 = tpu.vector_load %arg6[%get3A_126] {strides = array<i32>} : memref<10240xf32, #tpu.memory_space<vmem>>, vector<16xf32>,
      %get3A_128 = vector.shape_cast %get3A_127 : vector<16xf32> to vector<16xf32>
      %add3A_129 = arith.addf %add3A_121, %get3A_128 : vector<16xf32>
      %mul3A_130 = arith.constant 320 : i32
      %mul3A_131 = arith.muli %scan3A_53, %mul3A_130 : i32
      %add3A_132 = arith.constant 160 : i32
      %add3A_133 = arith.addi %mul3A_131, %add3A_132 : i32
      %get3A_134 = arith.index_cast %add3A_133 : i32 to index
      %get3A_135 = tpu.vector_load %arg6[%get3A_134] {strides = array<i32>} : memref<10240xf32, #tpu.memory_space<vmem>>, vector<16xf32>,
      %get3A_136 = vector.shape_cast %get3A_135 : vector<16xf32> to vector<16xf32>
      %add3A_137 = arith.addf %add3A_129, %get3A_136 : vector<16xf32>
      %mul3A_138 = arith.constant 320 : i32
      %mul3A_139 = arith.muli %scan3A_53, %mul3A_138 : i32
      %add3A_140 = arith.constant 176 : i32
      %add3A_141 = arith.addi %mul3A_139, %add3A_140 : i32
      %get3A_142 = arith.index_cast %add3A_141 : i32 to index
      %get3A_143 = tpu.vector_load %arg6[%get3A_142] {strides = array<i32>} : memref<10240xf32, #tpu.memory_space<vmem>>, vector<16xf32>,
      %get3A_144 = vector.shape_cast %get3A_143 : vector<16xf32> to vector<16xf32>
      %add3A_145 = arith.addf %add3A_137, %get3A_144 : vector<16xf32>
      %mul3A_146 = arith.constant 320 : i32
      %mul3A_147 = arith.muli %scan3A_53, %mul3A_146 : i32
      %add3A_148 = arith.constant 192 : i32
      %add3A_149 = arith.addi %mul3A_147, %add3A_148 : i32
      %get3A_150 = arith.index_cast %add3A_149 : i32 to index
      %get3A_151 = tpu.vector_load %arg6[%get3A_150] {strides = array<i32>} : memref<10240xf32, #tpu.memory_space<vmem>>, vector<16xf32>,
      %get3A_152 = vector.shape_cast %get3A_151 : vector<16xf32> to vector<16xf32>
      %add3A_153 = arith.addf %add3A_145, %get3A_152 : vector<16xf32>
      %mul3A_154 = arith.constant 320 : i32
      %mul3A_155 = arith.muli %scan3A_53, %mul3A_154 : i32
      %add3A_156 = arith.constant 208 : i32
      %add3A_157 = arith.addi %mul3A_155, %add3A_156 : i32
      %get3A_158 = arith.index_cast %add3A_157 : i32 to index
      %get3A_159 = tpu.vector_load %arg6[%get3A_158] {strides = array<i32>} : memref<10240xf32, #tpu.memory_space<vmem>>, vector<16xf32>,
      %get3A_160 = vector.shape_cast %get3A_159 : vector<16xf32> to vector<16xf32>
      %add3A_161 = arith.addf %add3A_153, %get3A_160 : vector<16xf32>
      %mul3A_162 = arith.constant 320 : i32
      %mul3A_163 = arith.muli %scan3A_53, %mul3A_162 : i32
      %add3A_164 = arith.constant 224 : i32
      %add3A_165 = arith.addi %mul3A_163, %add3A_164 : i32
      %get3A_166 = arith.index_cast %add3A_165 : i32 to index
      %get3A_167 = tpu.vector_load %arg6[%get3A_166] {strides = array<i32>} : memref<10240xf32, #tpu.memory_space<vmem>>, vector<16xf32>,
      %get3A_168 = vector.shape_cast %get3A_167 : vector<16xf32> to vector<16xf32>
      %add3A_169 = arith.addf %add3A_161, %get3A_168 : vector<16xf32>
      %mul3A_170 = arith.constant 320 : i32
      %mul3A_171 = arith.muli %scan3A_53, %mul3A_170 : i32
      %add3A_172 = arith.constant 240 : i32
      %add3A_173 = arith.addi %mul3A_171, %add3A_172 : i32
      %get3A_174 = arith.index_cast %add3A_173 : i32 to index
      %get3A_175 = tpu.vector_load %arg6[%get3A_174] {strides = array<i32>} : memref<10240xf32, #tpu.memory_space<vmem>>, vector<16xf32>,
      %get3A_176 = vector.shape_cast %get3A_175 : vector<16xf32> to vector<16xf32>
      %add3A_177 = arith.addf %add3A_169, %get3A_176 : vector<16xf32>
      %mul3A_178 = arith.constant 320 : i32
      %mul3A_179 = arith.muli %scan3A_53, %mul3A_178 : i32
      %add3A_180 = arith.constant 256 : i32
      %add3A_181 = arith.addi %mul3A_179, %add3A_180 : i32
      %get3A_182 = arith.index_cast %add3A_181 : i32 to index
      %get3A_183 = tpu.vector_load %arg6[%get3A_182] {strides = array<i32>} : memref<10240xf32, #tpu.memory_space<vmem>>, vector<16xf32>,
      %get3A_184 = vector.shape_cast %get3A_183 : vector<16xf32> to vector<16xf32>
      %add3A_185 = arith.addf %add3A_177, %get3A_184 : vector<16xf32>
      %mul3A_186 = arith.constant 320 : i32
      %mul3A_187 = arith.muli %scan3A_53, %mul3A_186 : i32
      %add3A_188 = arith.constant 272 : i32
      %add3A_189 = arith.addi %mul3A_187, %add3A_188 : i32
      %get3A_190 = arith.index_cast %add3A_189 : i32 to index
      %get3A_191 = tpu.vector_load %arg6[%get3A_190] {strides = array<i32>} : memref<10240xf32, #tpu.memory_space<vmem>>, vector<16xf32>,
      %get3A_192 = vector.shape_cast %get3A_191 : vector<16xf32> to vector<16xf32>
      %add3A_193 = arith.addf %add3A_185, %get3A_192 : vector<16xf32>
      %mul3A_194 = arith.constant 320 : i32
      %mul3A_195 = arith.muli %scan3A_53, %mul3A_194 : i32
      %add3A_196 = arith.constant 288 : i32
      %add3A_197 = arith.addi %mul3A_195, %add3A_196 : i32
      %get3A_198 = arith.index_cast %add3A_197 : i32 to index
      %get3A_199 = tpu.vector_load %arg6[%get3A_198] {strides = array<i32>} : memref<10240xf32, #tpu.memory_space<vmem>>, vector<16xf32>,
      %get3A_200 = vector.shape_cast %get3A_199 : vector<16xf32> to vector<16xf32>
      %add3A_201 = arith.addf %add3A_193, %get3A_200 : vector<16xf32>
      %mul3A_202 = arith.constant 320 : i32
      %mul3A_203 = arith.muli %scan3A_53, %mul3A_202 : i32
      %add3A_204 = arith.constant 304 : i32
      %add3A_205 = arith.addi %mul3A_203, %add3A_204 : i32
      %get3A_206 = arith.index_cast %add3A_205 : i32 to index
      %get3A_207 = tpu.vector_load %arg6[%get3A_206] {strides = array<i32>} : memref<10240xf32, #tpu.memory_space<vmem>>, vector<16xf32>,
      %get3A_208 = vector.shape_cast %get3A_207 : vector<16xf32> to vector<16xf32>
      %add3A_209 = arith.addf %add3A_201, %get3A_208 : vector<16xf32>
      %mul3A_210 = vector.broadcast %scan3A_45 : f32 to vector<16xf32>
      %mul3A_211 = arith.mulf %add3A_209, %mul3A_210 : vector<16xf32>
      %swap3A = arith.index_cast %scan3A_53 : i32 to index
      %swap3A_212 = arith.constant 0 : index
      %swap3A_213 = tpu.vector_load %arg7[%swap3A, %swap3A_212] {strides = array<i32>} : memref<32x16xf32, #tpu.memory_space<vmem>>, vector<1x16xf32>,
      %swap3A_214 = vector.shape_cast %swap3A_213 : vector<1x16xf32> to vector<16xf32>
      %swap3A_215 = vector.shape_cast %mul3A_211 : vector<16xf32> to vector<1x16xf32>
      tpu.vector_store %arg7[%swap3A, %swap3A_212], %swap3A_215 {strides = array<i32>} : memref<32x16xf32, #tpu.memory_space<vmem>>, vector<1x16xf32>,
    }
    %scan3A_50 = arith.constant 32 : i32
    %mul3A_51 = arith.constant 32 : i32
    %mul3A_52 = arith.muli %add3A, %mul3A_51 : i32
    "tpu.region"() ({
      %run_scoped3A = tpu.sem_alloc : memref<!tpu.dma_semaphore, #tpu.memory_space<semaphore_mem>>
      %dma_start3A_53 = arith.constant 0 : i32
      %dma_start3A_54 = tpu.memref_slice %arg4[%mul3A_52, %dma_start3A_53] : memref<1024x16xf32, #tpu.memory_space<hbm>> -> memref<32x16xf32, #tpu.memory_space<hbm>>
      %dma_start3A_55 = arith.constant 0 : i32
      %dma_start3A_56 = tpu.memref_slice %arg4[%mul3A_52, %dma_start3A_55] : memref<1024x16xf32, #tpu.memory_space<hbm>> -> memref<32x16xf32, #tpu.memory_space<hbm>>
      tpu.enqueue_dma source(%arg7 : memref<32x16xf32, #tpu.memory_space<vmem>>) target(%dma_start3A_56 : memref<32x16xf32, #tpu.memory_space<hbm>>) target_semaphore(%run_scoped3A : memref<!tpu.dma_semaphore, #tpu.memory_space<semaphore_mem>>)
      %dma_wait3A_57 = arith.constant 0 : i32
      %dma_wait3A_58 = tpu.memref_slice %arg4[%mul3A_52, %dma_wait3A_57] : memref<1024x16xf32, #tpu.memory_space<hbm>> -> memref<32x16xf32, #tpu.memory_space<hbm>>
      %dma_wait3A_59 = arith.constant 0 : i32
      %dma_wait3A_60 = tpu.memref_slice %arg4[%mul3A_52, %dma_wait3A_59] : memref<1024x16xf32, #tpu.memory_space<hbm>> -> memref<32x16xf32, #tpu.memory_space<hbm>>
      tpu.wait_dma2 semaphore(%run_scoped3A : memref<!tpu.dma_semaphore, #tpu.memory_space<semaphore_mem>>) src(%arg7 : memref<32x16xf32, #tpu.memory_space<vmem>>) dst(%dma_wait3A_60 : memref<32x16xf32, #tpu.memory_space<hbm>>)
      tpu.yield
    }) : () -> ()
    return
  }
}

module attributes {stable_mosaic.version = 14 : i64} {
  func.func @_proj_body(%arg0: i32, %arg1: memref<1024x17xf32, #tpu.memory_space<vmem>>, %arg2: memref<17x2048xf32, #tpu.memory_space<vmem>>, %arg3: memref<2048x1024xf32, #tpu.memory_space<vmem>>) attributes {dimension_semantics = [#tpu.dimension_semantics<arbitrary>], iteration_bounds = array<i64: 49>, scalar_prefetch = 0 : i64, scratch_operands = 0 : i64, tpu.core_type = #tpu.core_type<tc>, window_params = [{pipeline_mode = #tpu.pipeline_mode<synchronous>, transform_indices = @transform_0, window_bounds = array<i64: 1024, 17>}, {transform_indices = @transform_1, window_bounds = array<i64: 17, 2048>}, {transform_indices = @transform_2, window_bounds = array<i64: 2048, 1024>}]} {
    %get3A = arith.constant 0 : index
    %get3A_0 = arith.constant 0 : index
    %get3A_1 = vector.load %arg2[%get3A, %get3A_0] : memref<17x2048xf32, #tpu.memory_space<vmem>>, vector<17x2048xf32>
    %get3A_2 = arith.constant 0 : index
    %get3A_3 = arith.constant 0 : index
    %get3A_4 = vector.load %arg1[%get3A_2, %get3A_3] : memref<1024x17xf32, #tpu.memory_space<vmem>>, vector<1024x17xf32>
    %dot_general3A = arith.constant dense<0.000000e+00> : vector<2048x1024xf32>
    %dot_general3A_5 = tpu.matmul %get3A_1, %get3A_4, %dot_general3A {dimension_numbers = #tpu.dot_dimension_numbers<[0], [1], [1], [0], [0, 1, 1, 0], [], []>, transpose_lhs_hint = false} : vector<17x2048xf32>, vector<1024x17xf32>, vector<2048x1024xf32> -> vector<2048x1024xf32>
    %swap3A = arith.constant 0 : index
    %swap3A_6 = arith.constant 0 : index
    %swap3A_7 = vector.load %arg3[%swap3A, %swap3A_6] : memref<2048x1024xf32, #tpu.memory_space<vmem>>, vector<2048x1024xf32>
    tpu.vector_store %arg3[%swap3A, %swap3A_6], %dot_general3A_5 {strides = array<i32>} : memref<2048x1024xf32, #tpu.memory_space<vmem>>, vector<2048x1024xf32>,
    return
  }
  func.func @transform_0(%arg0: i32) -> (i32, i32) {
    %c0_i32 = arith.constant 0 : i32
    %c0_i32_0 = arith.constant 0 : i32
    %c0_i32_1 = arith.constant 0 : i32
    return %c0_i32, %c0_i32_0 : i32, i32
  }
  func.func @transform_1(%arg0: i32) -> (i32, i32) {
    %c0_i32 = arith.constant 0 : i32
    %c0_i32_0 = arith.constant 0 : i32
    return %c0_i32, %arg0 : i32, i32
  }
  func.func @transform_2(%arg0: i32) -> (i32, i32) {
    %c0_i32 = arith.constant 0 : i32
    %c0_i32_0 = arith.constant 0 : i32
    return %arg0, %c0_i32 : i32, i32
  }
}

</mosaic_0001>

<sc_bundles>
// kernel: kernel.4.cloned.1.call-start
scs
__scs_entry_jumppad:
0x0: {  	(pc) =	sbr.rel $0x88, $3  }
0x1: {  	(tag) =	ssettag $0x0;
	lr =	simm.s32 $0x1  }
0x2: {  	[smem:$0x3F9D] =	sst lr;
	_ =	strace $0xD0000000  }
0x3: {  	_ = 	snop  }
0x4: {  	_ = 	snop  }
0x5: {  	_ = 	snop  }
0x6: {  	_ = 	snop  }
0x7: {  	_ = 	snop  }
__scs_overlays_trampoline_lowered:
0x8: {  	[smem:$0x3FAC] =	sst s0  }
0x9: {  	[smem:$0x3FAD] =	sst s1  }
0xa: {  	[smem:$0x3FAE] =	sst s2  }
0xb: {  	[smem:$0x3FAF] =	sst s3  }
0xc: {  	[smem:$0x3FB0] =	sst s4  }
0xd: {  	[smem:$0x3FB1] =	sst s5  }
0xe: {  	[smem:$0x3FB2] =	sst s6  }
0xf: {  	[smem:$0x3FB3] =	sst s7  }
0x10: {  	[smem:$0x3FB4] =	sst s8  }
0x11: {  	[smem:$0x3FB5] =	sst s9;
	s0 =	simm.s32 @!p0 $0x0  }
0x12: {  	s1 =	sld [smem:$0x3F9B];
	s0 =	simm.s32 @p0 $0x1  }
0x13: {  	[smem:$0x3FB6] =	sst s0;
	s0 =	simm.s32 @!p1 $0x0  }
0x14: {  	s2 =	sld [smem:$0x3F9A];
	s0 =	simm.s32 @p1 $0x1  }
0x15: {  	[smem:$0x3FB7] =	sst s0;
	s0 =	simm.s32 @!p2 $0x0  }
0x16: {  	s3 =	sld [smem:$0x3FDB];
	s0 =	simm.s32 @p2 $0x1  }
0x17: {  	s4 =	simm.s32 $0x1BF5;
	[smem:$0x3FB9] =	sst s0  }
0x18: {  	s0 =	sld [smem:$0x3F9C];
	_ =	swait.ge [sflag:s4], $0x0  }
0x19: {  	s7 =	sld [smem:$0x3F9D]  }
0x1a: {  	s8 =	sadd.s32 $0xFFFFE003, lr  }
0x1b: {  	s9 =	sadd.s32 $0xFFFFFEF7, lr;
	s5 =	simm.s32 $0xFFFFFFFF;
	p2 =	slt.u32 s8, $0xFFFFF086  }
0x1c: {  	p1 =	slt.u32 s9, $0xF7A;
	s5 =	simm.s32 @!p2 $0x0  }
0x1d: {  	s5 =	simm.s32 @p1 $0x1;
	p0 =	seq.s32 s7, s2  }
0x1e: {  	s7 =	smul.u32 @!p0 $0xF7A, s2;
	p2 =	seq.s32 @!p0 s5, $0x0  }
0x1f: {  	s9 =	smul.u32 $0xF7A, s1;
	s8 =	simm.s32 @!p0 $0x1BF5;
	p2 =	por !p2, p0  }
0x20: {  	[sflag:s8] =	ssyncset.s32 @!p0 $0xFFFFF086;
	s6 =	sadd.s32 @!p0 s3, s7;
	s7 =	simm.s32 @!p0 $0x108  }
0x21: {  	s3 =	sadd.s32 s3, s9;
	s6 =	sadd.s32 @!p0 $0x88, s6;
	s7 =	simm.s32 @p2 $0x1082  }
0x22: {  	[simem:s7], [sflag:s8] =	dma.local @!p0 [hbm:s6], $0xF7A  }
0x23: {  	s9 =	sor.u32 $0xD0000000, s2;
	s6 =	simm.s32 $0x108;
	_ =	swait.ge @!p0 [sflag:s8], $0x0  }
0x24: {  	s3 =	sadd.s32 $0x88, s3;
	s6 =	simm.s32 @!p1 $0x1082;
	[sflag:s4] =	ssyncset.s32 $0xFFFFF086  }
0x25: {  	[simem:s6], [sflag:s4] =	dma.local [hbm:s3], $0xF7A  }
0x26: {  	[smem:$0x3F9D] =	sst s1;
	(tag) =	ssettag s2;
	_ =	strace s9  }
0x27: {  	s1 =	sld [smem:$0x3FAD]  }
0x28: {  	s2 =	sld [smem:$0x3FAE]  }
0x29: {  	s4 =	sld [smem:$0x3FB0]  }
0x2a: {  	p0 =	seq.s32 s5, $0x0;
	s5 =	sld [smem:$0x3FB1]  }
0x2b: {  	s6 =	sld [smem:$0x3FB2]  }
0x2c: {  	s7 =	sld [smem:$0x3FB3]  }
0x2d: {  	s3 =	simm.s32 $0x108;
	s8 =	sld [smem:$0x3FB4]  }
0x2e: {  	s3 =	simm.s32 @!p0 $0x1082;
	s9 =	sld [smem:$0x3FB5]  }
0x2f: {  	lr =	sadd.s32 s0, s3;
	s0 =	sld [smem:$0x3FAC]  }
0x30: {  	s3 =	sld [smem:$0x3FAF]  }
0x31: {  	[smem:$0x3FB8] =	sst s10  }
0x32: {  	s10 =	sld [smem:$0x3FB6];
	_ =	sdelay $0x3  }
0x33: {  	p0 =	seq.s32 s10, $0x1;
	s10 =	sld [smem:$0x3FB8];
	_ =	sdelay $0x3  }
0x34: {  	[smem:$0x3FB8] =	sst s10  }
0x35: {  	s10 =	sld [smem:$0x3FB7];
	_ =	sdelay $0x3  }
0x36: {  	p1 =	seq.s32 s10, $0x1;
	s10 =	sld [smem:$0x3FB8];
	_ =	sdelay $0x3  }
0x37: {  	[smem:$0x3FB8] =	sst s10  }
0x38: {  	s10 =	sld [smem:$0x3FB9]  }
0x39: {  	_ = 	snop;
	(pc) =	sbr.ind lr, $3  }
0x3a: {  	_ = 	snop  }
0x3b: {  	_ = 	snop  }
0x3c: {  	p2 =	seq.s32 s10, $0x1;
	s10 =	sld [smem:$0x3FB8]  }
0x3d: {  	_ =	shalt  }
0x3e: {  	_ =	shalt  }
0x3f: {  	_ =	shalt  }
0x40: {  	_ =	shalt  }
0x41: {  	_ =	shalt  }
0x42: {  	_ =	shalt  }
0x43: {  	_ =	shalt  }
0x44: {  	_ =	shalt  }
0x45: {  	_ =	shalt  }
0x46: {  	_ =	shalt  }
0x47: {  	_ =	shalt  }
0x48: {  	_ =	shalt  }
0x49: {  	_ =	shalt  }
0x4a: {  	_ =	shalt  }
0x4b: {  	_ =	shalt  }
0x4c: {  	_ =	shalt  }
0x4d: {  	_ =	shalt  }
0x4e: {  	_ =	shalt  }
0x4f: {  	_ =	shalt  }
0x50: {  	_ =	shalt  }
0x51: {  	_ =	shalt  }
0x52: {  	_ =	shalt  }
0x53: {  	_ =	shalt  }
0x54: {  	_ =	shalt  }
0x55: {  	_ =	shalt  }
0x56: {  	_ =	shalt  }
0x57: {  	_ =	shalt  }
0x58: {  	_ =	shalt  }
0x59: {  	_ =	shalt  }
0x5a: {  	_ =	shalt  }
0x5b: {  	_ =	shalt  }
0x5c: {  	_ =	shalt  }
0x5d: {  	_ =	shalt  }
0x5e: {  	_ =	shalt  }
0x5f: {  	_ =	shalt  }
0x60: {  	_ =	shalt  }
0x61: {  	_ =	shalt  }
0x62: {  	_ =	shalt  }
0x63: {  	_ =	shalt  }
0x64: {  	_ =	shalt  }
0x65: {  	_ =	shalt  }
0x66: {  	_ =	shalt  }
0x67: {  	_ =	shalt  }
0x68: {  	_ =	shalt  }
0x69: {  	_ =	shalt  }
0x6a: {  	_ =	shalt  }
0x6b: {  	_ =	shalt  }
0x6c: {  	_ =	shalt  }
0x6d: {  	_ =	shalt  }
0x6e: {  	_ =	shalt  }
0x6f: {  	_ =	shalt  }
0x70: {  	_ =	shalt  }
0x71: {  	_ =	shalt  }
0x72: {  	_ =	shalt  }
0x73: {  	_ =	shalt  }
0x74: {  	_ =	shalt  }
0x75: {  	_ =	shalt  }
0x76: {  	_ =	shalt  }
0x77: {  	_ =	shalt  }
0x78: {  	_ =	shalt  }
0x79: {  	_ =	shalt  }
0x7a: {  	_ =	shalt  }
0x7b: {  	_ =	shalt  }
0x7c: {  	_ =	shalt  }
0x7d: {  	_ =	shalt  }
0x7e: {  	_ =	shalt  }
0x7f: {  	_ =	shalt  }
0x80: {  	_ =	shalt  }
0x81: {  	_ =	shalt  }
0x82: {  	_ =	shalt  }
0x83: {  	_ =	shalt  }
0x84: {  	_ =	shalt  }
0x85: {  	_ =	shalt  }
0x86: {  	_ =	shalt  }
0x87: {  	_ =	shalt  }
.Lfunc_end0:
.L_simem_size_0:
called_computation_lowered:
.L_overlay_start_0:
0x88: {  	s2 =	sld [smem:$0x3FD9]  }
0x89: {  	s3 =	sld [smem:$0x3FFE];
	_ =	sdelay $0x1  }
0x8a: {  	s1 =	srdreg.scid  }
0x8b: {  	s0 =	sand.u32 $0x1, s1  }
0x8c: {  	s17 =	sshll.u32 s0, $0xA;
	s2 =	sadd.s32 s3, s2  }
0x8d: {  	s2 =	sadd.s32 s2, s17  }
0x8e: {  	[smem:$0x3FC4] =	sst s2  }
0x8f: {  	_ = 	snop  }
0x90: {  	s2 =	sld [smem:$0x3FD0];
	(tm) =	ssettm $0x1  }
0x91: {  	s18 =	sld [smem:$0x3FFB];
	_ =	sdelay $0x3  }
0x92: {  	_ =	strace s18  }
0x93: {  	s3 =	sld [smem:$0x3FFC];
	_ =	sdelay $0x3  }
0x94: {  	_ =	strace s3  }
0x95: {  	s3 =	sld [smem:$0x3FFD];
	_ =	sdelay $0x3  }
0x96: {  	_ =	strace s3  }
0x97: {  	_ =	strace $0x8FFFFFFF  }
0x98: {  	s19 =	sld [smem:$0x3FDB];
	_ =	sdelay $0x1  }
0x99: {  	s4 =	simm.s32 $_scs_section_size  }
0x9a: {  	s5 =	simm.s32 $_size__tile_overlayer_lowered;
	s6 =	simm.s32 $_tile_overlayer_lowered  }
0x9b: {  	s22 =	simm.s32 $0x1BFF;
	s21 =	sshll.u32 s6, $0x1;
	s3 =	sadd.s32 s4, s19  }
0x9c: {  	s7 =	simm.s32 $0x0;
	s20 =	sshll.u32 s5, $0x1;
	s5 =	sadd.s32 s21, s3  }
0x9d: {  	[timem:s7], [sflag:s22] =	dma.local [hbm:s5], s20  }
0x9e: {  	_ =	swait.ge [sflag:s22], s20  }
0x9f: {  	s4 =	ssub.s32 $0x0, s20;
	[sflag:s22] =	ssyncset.done $0x0  }
0xa0: {  	[sflag:s22] =	ssyncadd.s32 s4;
	_ =	sdelay $0x1  }
0xa1: {  	s23 =	simm.s32 $0x1B8B  }
0xa2: {  	_ =	swait.ge [sflag:s23], $0x1  }
0xa3: {  	[sflag:s23] =	ssyncset.done $0x0  }
0xa4: {  	s25 =	simm.s32 $0x1B8E;
	s24 =	sld [smem:$0x3FFE];
	[sflag:s23] =	ssyncadd.s32 $0xFFFFFFFF  }
0xa5: {  	s26 =	simm.s32 $execute0_lowered;
	[smem:$0x3FD2] =	sst s25  }
0xa6: {  	s5 =	sshll.u32 s26, $0x1;
	_ =	strace $0x80000046;
	[dreg:$0x1] =	wrdreg $0xFFFFFFFF  }
0xa7: {  	s28 =	simm.s32 $_size_execute0_lowered;
	s3 =	sadd.s32 s3, s5;
	[dreg:$0x0] =	wrdreg $0x0  }
0xa8: {  	s5 =	sshll.u32 s28, $0x1;
	[dreg:$0x2] =	wrdreg s3  }
0xa9: {  	[dreg:$0x3] =	wrdreg s5  }
0xaa: {  	[dreg:$0x4] =	wrdreg $0xC0  }
0xab: {  	_ =	task [dreg:s7], $0x5FFFF  }
0xac: {  	[dreg:$0x1] =	wrdreg $0xFFFFFFFF  }
0xad: {  	[dreg:$0x0] =	wrdreg $0x60  }
0xae: {  	[dreg:$0x2] =	wrdreg s24  }
0xaf: {  	[dreg:$0x3] =	wrdreg s2  }
0xb0: {  	[dreg:$0x4] =	wrdreg $0x9  }
0xb1: {  	_ =	task.clear_ibuf [dreg:s7], $0x5FFFF;
	_ =	strace $0x90000046  }
0xb2: {  	s29 =	simm.s32 $0x9;
	_ =	strace $0x80000048  }
0xb3: {  	_ =	swait.ge [sflag:s29], $0x1  }
0xb4: {  	[sflag:s29] =	ssyncadd.s32 $0xFFFFFFFF  }
0xb5: {  	_ =	strace $0x90000048  }
0xb6: {  	_ =	sfence  }
0xb7: {  	s30 =	sld [smem:$0x0];
	_ =	sdelay $0x2  }
0xb8: {  	s31 =	sshll.u32 s1, $0xD;
	s1 =	sshrl.u32 s1, $0x2  }
0xb9: {  	s3 =	sand.u32 $0x4000, s31;
	s1 =	sadd.s32 s1, s30  }
0xba: {  	s0 =	sor.u32 s3, s0;
	s1 =	sshll.u32 s1, $0x11  }
0xbb: {  	s0 =	sor.u32 s1, s0  }
0xbc: {  	s0 =	sadd.s32 $0x8F2B, s0  }
0xbd: {  	[sflag:s0] =	ssyncadd.remote.s32 $0x1  }
0xbe: {  	_ =	sfence.sel $0xFFFF  }
0xbf: {  	[dreg:$0x0] =	wrdreg $0xFFFFFFFF;
	(pc) =	sbr.abs _section_cstart, $3  }
0xc0: {  	[dreg:$0x1] =	wrdreg $0xFFFFFFFF  }
0xc1: {  	_ =	task.clear_ibuf [dreg:s7], $0x2FFFF;
	_ =	strace $0x9FFFFFFF  }
0xc2: {  	(tm) =	ssettm $0x7FFFFFFF  }
0xc3: {  	_ =	shalt  }
tec
execute0_lowered:
.L_overlay_start_1:
0x0: {  	(tag) =	ssettag $0x1  }
0x1: {  	s0 =	rddreg [dreg:$0x0];
	s1 =	srdreg.scid  }
0x2: {  	s3 =	stileid.u32;
	s2 =	rddreg [dreg:$0x1]  }
0x3: {  	s8 =	simm.s32 $0x1400;
	s9 =	simm.s32 $0x2;
	s10 =	simm.s32 $0x80  }
0x4: {  	s22 =	simm.s32 $0x2480;
	s23 =	simm.s32 $0x4C80;
	s24 =	simm.s32 $0x2500  }
0x5: {  	s25 =	simm.s32 $0x4D00;
	s26 =	simm.s32 $0x2580;
	s28 =	simm.s32 $0x4D80  }
0x6: {  	s29 =	simm.s32 $0x2600;
	s30 =	simm.s32 $0x4E00;
	s31 =	simm.s32 $0x2680  }
0x7: {  	s11 =	simm.s32 $0x4F00;
	s12 =	simm.s32 $0x2780;
	s13 =	simm.s32 $0x4F80  }
0x8: {  	s14 =	simm.s32 $0x1;
	s1 =	sand.u32 $0x1, s1;
	s4 =	sshll.u32 s3, $0x1  }
0x9: {  	s15 =	simm.s32 $0x5000;
	s16 =	simm.s32 $0x3;
	s4 =	sor.u32 s1, s4  }
0xa: {  	s3 =	simm.s32 $0x0;
	s1 =	ssub.s32 $0x2, s1;
	s5 =	smul.u32 $0x2800, s4  }
0xb: {  	s17 =	simm.s32 $0x0;
	[smem:$0x7FF] =	sst s3;
	s6 =	sshrl.u32 s1, $0x1  }
0xc: {  	_ =	strace $0x80000047;
	s1 =	ssub.s32 s1, s6;
	s5 =	sshrl.u32 s5, $0x3  }
0xd: {  	s4 =	sshll.u32 s4, $0x6;
	s7 =	smax.u32 s1, $0x1;
	s5 =	sadd.s32 s5, s0  }
0xe: {  	s1 =	simm.s32 $0x4E80;
	s0 =	sadd.s32 s4, s0;
	s4 =	sadd.s32 $0xE00, s5  }
0xf: {  	s5 =	sadd.s32 $0x1080, s5;
	s6 =	sadd.s32 $0xAE00, s0;
	s0 =	simm.s32 $0x2700  }
.LBB2_1:
0x10: {  	[tilespmem:s3], [sflag:$0x2] =	stream.linear.gather [hbm4b:s4+s3], $0x1400, $0x38;
	[tilespmem:$0x5200] =	vst v63  }
0x11: {  	_ = 	snop  }
0x12: {  	[tilespmem:s8], [sflag:$0x2] =	stream.linear.gather [hbm4b:s5+s3], $0x1400, $0x38;
	[tilespmem:$0x5200] =	vst v63  }
0x13: {  	_ =	swait.ge [sflag:s9], $0x1400  }
0x14: {  	[sflag:s9] =	ssyncset.done $0x0  }
0x15: {  	s18 =	simm.s32 $0x2800;
	[sflag:s9] =	ssyncadd.s32 $0xFFFFEC00  }
0x16: {  	[tilespmem:s18], [sflag:$0x1] =	stream.indirect.gather [hbm4b:s2+s10], $0x1, s3, s10, $0xb8;
	[tilespmem:$0x5200] =	vst v63  }
0x17: {  	s20 =	simm.s32 $0x2880  }
0x18: {  	[tilespmem:s20], [sflag:$0x1] =	stream.indirect.gather [hbm4b:s2+s10], $0x1, s10, s10, $0xb8;
	[tilespmem:$0x5200] =	vst v63  }
0x19: {  	s21 =	simm.s32 $0x100;
	s19 =	simm.s32 $0x2900  }
0x1a: {  	[tilespmem:s19], [sflag:$0x1] =	stream.indirect.gather [hbm4b:s2+s10], $0x1, s21, s10, $0xb8;
	[tilespmem:$0x5200] =	vst v63  }
0x1b: {  	s20 =	simm.s32 $0x180;
	s21 =	simm.s32 $0x2980  }
0x1c: {  	[tilespmem:s21], [sflag:$0x1] =	stream.indirect.gather [hbm4b:s2+s10], $0x1, s20, s10, $0xb8;
	[tilespmem:$0x5200] =	vst v63  }
0x1d: {  	s20 =	simm.s32 $0x200;
	s21 =	simm.s32 $0x2A00  }
0x1e: {  	[tilespmem:s21], [sflag:$0x1] =	stream.indirect.gather [hbm4b:s2+s10], $0x1, s20, s10, $0xb8;
	[tilespmem:$0x5200] =	vst v63  }
0x1f: {  	s20 =	simm.s32 $0x280;
	s21 =	simm.s32 $0x2A80  }
0x20: {  	[tilespmem:s21], [sflag:$0x1] =	stream.indirect.gather [hbm4b:s2+s10], $0x1, s20, s10, $0xb8;
	[tilespmem:$0x5200] =	vst v63  }
0x21: {  	s20 =	simm.s32 $0x300;
	s21 =	simm.s32 $0x2B00  }
0x22: {  	[tilespmem:s21], [sflag:$0x1] =	stream.indirect.gather [hbm4b:s2+s10], $0x1, s20, s10, $0xb8;
	[tilespmem:$0x5200] =	vst v63  }
0x23: {  	s20 =	simm.s32 $0x380;
	s21 =	simm.s32 $0x2B80  }
0x24: {  	[tilespmem:s21], [sflag:$0x1] =	stream.indirect.gather [hbm4b:s2+s10], $0x1, s20, s10, $0xb8;
	[tilespmem:$0x5200] =	vst v63  }
0x25: {  	s20 =	simm.s32 $0x400;
	s21 =	simm.s32 $0x2C00  }
0x26: {  	[tilespmem:s21], [sflag:$0x1] =	stream.indirect.gather [hbm4b:s2+s10], $0x1, s20, s10, $0xb8;
	[tilespmem:$0x5200] =	vst v63  }
0x27: {  	s20 =	simm.s32 $0x480;
	s21 =	simm.s32 $0x2C80  }
0x28: {  	[tilespmem:s21], [sflag:$0x1] =	stream.indirect.gather [hbm4b:s2+s10], $0x1, s20, s10, $0xb8;
	[tilespmem:$0x5200] =	vst v63  }
0x29: {  	s20 =	simm.s32 $0x500;
	s21 =	simm.s32 $0x2D00  }
0x2a: {  	[tilespmem:s21], [sflag:$0x1] =	stream.indirect.gather [hbm4b:s2+s10], $0x1, s20, s10, $0xb8;
	[tilespmem:$0x5200] =	vst v63  }
0x2b: {  	s20 =	simm.s32 $0x580;
	s21 =	simm.s32 $0x2D80  }
0x2c: {  	[tilespmem:s21], [sflag:$0x1] =	stream.indirect.gather [hbm4b:s2+s10], $0x1, s20, s10, $0xb8;
	[tilespmem:$0x5200] =	vst v63  }
0x2d: {  	s20 =	simm.s32 $0x600;
	s21 =	simm.s32 $0x2E00  }
0x2e: {  	[tilespmem:s21], [sflag:$0x1] =	stream.indirect.gather [hbm4b:s2+s10], $0x1, s20, s10, $0xb8;
	[tilespmem:$0x5200] =	vst v63  }
0x2f: {  	s20 =	simm.s32 $0x680;
	s21 =	simm.s32 $0x2E80  }
0x30: {  	[tilespmem:s21], [sflag:$0x1] =	stream.indirect.gather [hbm4b:s2+s10], $0x1, s20, s10, $0xb8;
	[tilespmem:$0x5200] =	vst v63  }
0x31: {  	s20 =	simm.s32 $0x700;
	s21 =	simm.s32 $0x2F00  }
0x32: {  	[tilespmem:s21], [sflag:$0x1] =	stream.indirect.gather [hbm4b:s2+s10], $0x1, s20, s10, $0xb8;
	[tilespmem:$0x5200] =	vst v63  }
0x33: {  	s20 =	simm.s32 $0x780;
	s21 =	simm.s32 $0x2F80  }
0x34: {  	[tilespmem:s21], [sflag:$0x1] =	stream.indirect.gather [hbm4b:s2+s10], $0x1, s20, s10, $0xb8;
	[tilespmem:$0x5200] =	vst v63  }
0x35: {  	s20 =	simm.s32 $0x800;
	s21 =	simm.s32 $0x3000  }
0x36: {  	[tilespmem:s21], [sflag:$0x1] =	stream.indirect.gather [hbm4b:s2+s10], $0x1, s20, s10, $0xb8;
	[tilespmem:$0x5200] =	vst v63  }
0x37: {  	s20 =	simm.s32 $0x880;
	s21 =	simm.s32 $0x3080  }
0x38: {  	[tilespmem:s21], [sflag:$0x1] =	stream.indirect.gather [hbm4b:s2+s10], $0x1, s20, s10, $0xb8;
	[tilespmem:$0x5200] =	vst v63  }
0x39: {  	s20 =	simm.s32 $0x900;
	s21 =	simm.s32 $0x3100  }
0x3a: {  	[tilespmem:s21], [sflag:$0x1] =	stream.indirect.gather [hbm4b:s2+s10], $0x1, s20, s10, $0xb8;
	[tilespmem:$0x5200] =	vst v63  }
0x3b: {  	s20 =	simm.s32 $0x980;
	s21 =	simm.s32 $0x3180  }
0x3c: {  	[tilespmem:s21], [sflag:$0x1] =	stream.indirect.gather [hbm4b:s2+s10], $0x1, s20, s10, $0xb8;
	[tilespmem:$0x5200] =	vst v63  }
0x3d: {  	s20 =	simm.s32 $0xA00;
	s21 =	simm.s32 $0x3200  }
0x3e: {  	[tilespmem:s21], [sflag:$0x1] =	stream.indirect.gather [hbm4b:s2+s10], $0x1, s20, s10, $0xb8;
	[tilespmem:$0x5200] =	vst v63  }
0x3f: {  	s20 =	simm.s32 $0xA80;
	s21 =	simm.s32 $0x3280  }
0x40: {  	[tilespmem:s21], [sflag:$0x1] =	stream.indirect.gather [hbm4b:s2+s10], $0x1, s20, s10, $0xb8;
	[tilespmem:$0x5200] =	vst v63  }
0x41: {  	s20 =	simm.s32 $0xB00;
	s21 =	simm.s32 $0x3300  }
0x42: {  	[tilespmem:s21], [sflag:$0x1] =	stream.indirect.gather [hbm4b:s2+s10], $0x1, s20, s10, $0xb8;
	[tilespmem:$0x5200] =	vst v63  }
0x43: {  	s20 =	simm.s32 $0xB80;
	s21 =	simm.s32 $0x3380  }
0x44: {  	[tilespmem:s21], [sflag:$0x1] =	stream.indirect.gather [hbm4b:s2+s10], $0x1, s20, s10, $0xb8;
	[tilespmem:$0x5200] =	vst v63  }
0x45: {  	s20 =	simm.s32 $0xC00;
	s21 =	simm.s32 $0x3400  }
0x46: {  	[tilespmem:s21], [sflag:$0x1] =	stream.indirect.gather [hbm4b:s2+s10], $0x1, s20, s10, $0xb8;
	[tilespmem:$0x5200] =	vst v63  }
0x47: {  	s20 =	simm.s32 $0xC80;
	s21 =	simm.s32 $0x3480  }
0x48: {  	[tilespmem:s21], [sflag:$0x1] =	stream.indirect.gather [hbm4b:s2+s10], $0x1, s20, s10, $0xb8;
	[tilespmem:$0x5200] =	vst v63  }
0x49: {  	s20 =	simm.s32 $0xD00;
	s21 =	simm.s32 $0x3500  }
0x4a: {  	[tilespmem:s21], [sflag:$0x1] =	stream.indirect.gather [hbm4b:s2+s10], $0x1, s20, s10, $0xb8;
	[tilespmem:$0x5200] =	vst v63  }
0x4b: {  	s20 =	simm.s32 $0xD80;
	s21 =	simm.s32 $0x3580  }
0x4c: {  	[tilespmem:s21], [sflag:$0x1] =	stream.indirect.gather [hbm4b:s2+s10], $0x1, s20, s10, $0xb8;
	[tilespmem:$0x5200] =	vst v63  }
0x4d: {  	s20 =	simm.s32 $0xE00;
	s21 =	simm.s32 $0x3600  }
0x4e: {  	[tilespmem:s21], [sflag:$0x1] =	stream.indirect.gather [hbm4b:s2+s10], $0x1, s20, s10, $0xb8;
	[tilespmem:$0x5200] =	vst v63  }
0x4f: {  	s20 =	simm.s32 $0xE80;
	s21 =	simm.s32 $0x3680  }
0x50: {  	[tilespmem:s21], [sflag:$0x1] =	stream.indirect.gather [hbm4b:s2+s10], $0x1, s20, s10, $0xb8;
	[tilespmem:$0x5200] =	vst v63  }
0x51: {  	s20 =	simm.s32 $0xF00;
	s21 =	simm.s32 $0x3700  }
0x52: {  	[tilespmem:s21], [sflag:$0x1] =	stream.indirect.gather [hbm4b:s2+s10], $0x1, s20, s10, $0xb8;
	[tilespmem:$0x5200] =	vst v63  }
0x53: {  	s20 =	simm.s32 $0xF80;
	s21 =	simm.s32 $0x3780  }
0x54: {  	[tilespmem:s21], [sflag:$0x1] =	stream.indirect.gather [hbm4b:s2+s10], $0x1, s20, s10, $0xb8;
	[tilespmem:$0x5200] =	vst v63  }
0x55: {  	s20 =	simm.s32 $0x1000;
	s21 =	simm.s32 $0x3800  }
0x56: {  	[tilespmem:s21], [sflag:$0x1] =	stream.indirect.gather [hbm4b:s2+s10], $0x1, s20, s10, $0xb8;
	[tilespmem:$0x5200] =	vst v63  }
0x57: {  	s20 =	simm.s32 $0x1080;
	s21 =	simm.s32 $0x3880  }
0x58: {  	[tilespmem:s21], [sflag:$0x1] =	stream.indirect.gather [hbm4b:s2+s10], $0x1, s20, s10, $0xb8;
	[tilespmem:$0x5200] =	vst v63  }
0x59: {  	s20 =	simm.s32 $0x1100;
	s21 =	simm.s32 $0x3900  }
0x5a: {  	[tilespmem:s21], [sflag:$0x1] =	stream.indirect.gather [hbm4b:s2+s10], $0x1, s20, s10, $0xb8;
	[tilespmem:$0x5200] =	vst v63  }
0x5b: {  	s20 =	simm.s32 $0x1180;
	s21 =	simm.s32 $0x3980  }
0x5c: {  	[tilespmem:s21], [sflag:$0x1] =	stream.indirect.gather [hbm4b:s2+s10], $0x1, s20, s10, $0xb8;
	[tilespmem:$0x5200] =	vst v63  }
0x5d: {  	s20 =	simm.s32 $0x1200;
	s21 =	simm.s32 $0x3A00  }
0x5e: {  	[tilespmem:s21], [sflag:$0x1] =	stream.indirect.gather [hbm4b:s2+s10], $0x1, s20, s10, $0xb8;
	[tilespmem:$0x5200] =	vst v63  }
0x5f: {  	s20 =	simm.s32 $0x1280;
	s21 =	simm.s32 $0x3A80  }
0x60: {  	[tilespmem:s21], [sflag:$0x1] =	stream.indirect.gather [hbm4b:s2+s10], $0x1, s20, s10, $0xb8;
	[tilespmem:$0x5200] =	vst v63  }
0x61: {  	s20 =	simm.s32 $0x1300;
	s21 =	simm.s32 $0x3B00  }
0x62: {  	[tilespmem:s21], [sflag:$0x1] =	stream.indirect.gather [hbm4b:s2+s10], $0x1, s20, s10, $0xb8;
	[tilespmem:$0x5200] =	vst v63  }
0x63: {  	s20 =	simm.s32 $0x1380;
	s21 =	simm.s32 $0x3B80  }
0x64: {  	[tilespmem:s21], [sflag:$0x1] =	stream.indirect.gather [hbm4b:s2+s10], $0x1, s20, s10, $0xb8;
	[tilespmem:$0x5200] =	vst v63  }
0x65: {  	_ =	swait.ge [sflag:s9], $0x1400  }
0x66: {  	[sflag:s9] =	ssyncset.done $0x0  }
0x67: {  	s19 =	simm.s32 $0x3C00;
	[sflag:s9] =	ssyncadd.s32 $0xFFFFEC00  }
0x68: {  	[tilespmem:s19], [sflag:$0x1] =	stream.indirect.gather [hbm4b:s2+s10], $0x1, s8, s10, $0xb8;
	[tilespmem:$0x5200] =	vst v63  }
0x69: {  	s20 =	simm.s32 $0x1480;
	s21 =	simm.s32 $0x3C80  }
0x6a: {  	[tilespmem:s21], [sflag:$0x1] =	stream.indirect.gather [hbm4b:s2+s10], $0x1, s20, s10, $0xb8;
	[tilespmem:$0x5200] =	vst v63  }
0x6b: {  	s20 =	simm.s32 $0x1500;
	s21 =	simm.s32 $0x3D00  }
0x6c: {  	[tilespmem:s21], [sflag:$0x1] =	stream.indirect.gather [hbm4b:s2+s10], $0x1, s20, s10, $0xb8;
	[tilespmem:$0x5200] =	vst v63  }
0x6d: {  	s20 =	simm.s32 $0x1580;
	s21 =	simm.s32 $0x3D80  }
0x6e: {  	[tilespmem:s21], [sflag:$0x1] =	stream.indirect.gather [hbm4b:s2+s10], $0x1, s20, s10, $0xb8;
	[tilespmem:$0x5200] =	vst v63  }
0x6f: {  	s20 =	simm.s32 $0x1600;
	s21 =	simm.s32 $0x3E00  }
0x70: {  	[tilespmem:s21], [sflag:$0x1] =	stream.indirect.gather [hbm4b:s2+s10], $0x1, s20, s10, $0xb8;
	[tilespmem:$0x5200] =	vst v63  }
0x71: {  	s20 =	simm.s32 $0x1680;
	s21 =	simm.s32 $0x3E80  }
0x72: {  	[tilespmem:s21], [sflag:$0x1] =	stream.indirect.gather [hbm4b:s2+s10], $0x1, s20, s10, $0xb8;
	[tilespmem:$0x5200] =	vst v63  }
0x73: {  	s20 =	simm.s32 $0x1700;
	s21 =	simm.s32 $0x3F00  }
0x74: {  	[tilespmem:s21], [sflag:$0x1] =	stream.indirect.gather [hbm4b:s2+s10], $0x1, s20, s10, $0xb8;
	[tilespmem:$0x5200] =	vst v63  }
0x75: {  	s20 =	simm.s32 $0x1780;
	s21 =	simm.s32 $0x3F80  }
0x76: {  	[tilespmem:s21], [sflag:$0x1] =	stream.indirect.gather [hbm4b:s2+s10], $0x1, s20, s10, $0xb8;
	[tilespmem:$0x5200] =	vst v63  }
0x77: {  	s20 =	simm.s32 $0x1800;
	s21 =	simm.s32 $0x4000  }
0x78: {  	[tilespmem:s21], [sflag:$0x1] =	stream.indirect.gather [hbm4b:s2+s10], $0x1, s20, s10, $0xb8;
	[tilespmem:$0x5200] =	vst v63  }
0x79: {  	s20 =	simm.s32 $0x1880;
	s21 =	simm.s32 $0x4080  }
0x7a: {  	[tilespmem:s21], [sflag:$0x1] =	stream.indirect.gather [hbm4b:s2+s10], $0x1, s20, s10, $0xb8;
	[tilespmem:$0x5200] =	vst v63  }
0x7b: {  	s20 =	simm.s32 $0x1900;
	s21 =	simm.s32 $0x4100  }
0x7c: {  	[tilespmem:s21], [sflag:$0x1] =	stream.indirect.gather [hbm4b:s2+s10], $0x1, s20, s10, $0xb8;
	[tilespmem:$0x5200] =	vst v63  }
0x7d: {  	s20 =	simm.s32 $0x1980;
	s21 =	simm.s32 $0x4180  }
0x7e: {  	[tilespmem:s21], [sflag:$0x1] =	stream.indirect.gather [hbm4b:s2+s10], $0x1, s20, s10, $0xb8;
	[tilespmem:$0x5200] =	vst v63  }
0x7f: {  	s20 =	simm.s32 $0x1A00;
	s21 =	simm.s32 $0x4200  }
0x80: {  	[tilespmem:s21], [sflag:$0x1] =	stream.indirect.gather [hbm4b:s2+s10], $0x1, s20, s10, $0xb8;
	[tilespmem:$0x5200] =	vst v63  }
0x81: {  	s20 =	simm.s32 $0x1A80;
	s21 =	simm.s32 $0x4280  }
0x82: {  	[tilespmem:s21], [sflag:$0x1] =	stream.indirect.gather [hbm4b:s2+s10], $0x1, s20, s10, $0xb8;
	[tilespmem:$0x5200] =	vst v63  }
0x83: {  	s20 =	simm.s32 $0x1B00;
	s21 =	simm.s32 $0x4300  }
0x84: {  	[tilespmem:s21], [sflag:$0x1] =	stream.indirect.gather [hbm4b:s2+s10], $0x1, s20, s10, $0xb8;
	[tilespmem:$0x5200] =	vst v63  }
0x85: {  	s20 =	simm.s32 $0x1B80;
	s21 =	simm.s32 $0x4380  }
0x86: {  	[tilespmem:s21], [sflag:$0x1] =	stream.indirect.gather [hbm4b:s2+s10], $0x1, s20, s10, $0xb8;
	[tilespmem:$0x5200] =	vst v63  }
0x87: {  	s20 =	simm.s32 $0x1C00;
	s21 =	simm.s32 $0x4400  }
0x88: {  	[tilespmem:s21], [sflag:$0x1] =	stream.indirect.gather [hbm4b:s2+s10], $0x1, s20, s10, $0xb8;
	[tilespmem:$0x5200] =	vst v63  }
0x89: {  	s20 =	simm.s32 $0x1C80;
	s21 =	simm.s32 $0x4480  }
0x8a: {  	[tilespmem:s21], [sflag:$0x1] =	stream.indirect.gather [hbm4b:s2+s10], $0x1, s20, s10, $0xb8;
	[tilespmem:$0x5200] =	vst v63  }
0x8b: {  	s20 =	simm.s32 $0x1D00;
	s21 =	simm.s32 $0x4500  }
0x8c: {  	[tilespmem:s21], [sflag:$0x1] =	stream.indirect.gather [hbm4b:s2+s10], $0x1, s20, s10, $0xb8;
	[tilespmem:$0x5200] =	vst v63  }
0x8d: {  	s20 =	simm.s32 $0x1D80;
	s21 =	simm.s32 $0x4580  }
0x8e: {  	[tilespmem:s21], [sflag:$0x1] =	stream.indirect.gather [hbm4b:s2+s10], $0x1, s20, s10, $0xb8;
	[tilespmem:$0x5200] =	vst v63  }
0x8f: {  	s20 =	simm.s32 $0x1E00;
	s21 =	simm.s32 $0x4600  }
0x90: {  	[tilespmem:s21], [sflag:$0x1] =	stream.indirect.gather [hbm4b:s2+s10], $0x1, s20, s10, $0xb8;
	[tilespmem:$0x5200] =	vst v63  }
0x91: {  	s20 =	simm.s32 $0x1E80;
	s21 =	simm.s32 $0x4680  }
0x92: {  	[tilespmem:s21], [sflag:$0x1] =	stream.indirect.gather [hbm4b:s2+s10], $0x1, s20, s10, $0xb8;
	[tilespmem:$0x5200] =	vst v63  }
0x93: {  	s20 =	simm.s32 $0x1F00;
	s21 =	simm.s32 $0x4700  }
0x94: {  	[tilespmem:s21], [sflag:$0x1] =	stream.indirect.gather [hbm4b:s2+s10], $0x1, s20, s10, $0xb8;
	[tilespmem:$0x5200] =	vst v63  }
0x95: {  	s20 =	simm.s32 $0x1F80;
	s21 =	simm.s32 $0x4780  }
0x96: {  	[tilespmem:s21], [sflag:$0x1] =	stream.indirect.gather [hbm4b:s2+s10], $0x1, s20, s10, $0xb8;
	[tilespmem:$0x5200] =	vst v63  }
0x97: {  	s20 =	simm.s32 $0x2000;
	s21 =	simm.s32 $0x4800  }
0x98: {  	[tilespmem:s21], [sflag:$0x1] =	stream.indirect.gather [hbm4b:s2+s10], $0x1, s20, s10, $0xb8;
	[tilespmem:$0x5200] =	vst v63  }
0x99: {  	s20 =	simm.s32 $0x2080;
	s21 =	simm.s32 $0x4880  }
0x9a: {  	[tilespmem:s21], [sflag:$0x1] =	stream.indirect.gather [hbm4b:s2+s10], $0x1, s20, s10, $0xb8;
	[tilespmem:$0x5200] =	vst v63  }
0x9b: {  	s20 =	simm.s32 $0x2100;
	s21 =	simm.s32 $0x4900  }
0x9c: {  	[tilespmem:s21], [sflag:$0x1] =	stream.indirect.gather [hbm4b:s2+s10], $0x1, s20, s10, $0xb8;
	[tilespmem:$0x5200] =	vst v63  }
0x9d: {  	s20 =	simm.s32 $0x2180;
	s21 =	simm.s32 $0x4980  }
0x9e: {  	[tilespmem:s21], [sflag:$0x1] =	stream.indirect.gather [hbm4b:s2+s10], $0x1, s20, s10, $0xb8;
	[tilespmem:$0x5200] =	vst v63  }
0x9f: {  	s20 =	simm.s32 $0x2200;
	s21 =	simm.s32 $0x4A00  }
0xa0: {  	[tilespmem:s21], [sflag:$0x1] =	stream.indirect.gather [hbm4b:s2+s10], $0x1, s20, s10, $0xb8;
	[tilespmem:$0x5200] =	vst v63  }
0xa1: {  	s20 =	simm.s32 $0x2280;
	s21 =	simm.s32 $0x4A80  }
0xa2: {  	[tilespmem:s21], [sflag:$0x1] =	stream.indirect.gather [hbm4b:s2+s10], $0x1, s20, s10, $0xb8;
	[tilespmem:$0x5200] =	vst v63  }
0xa3: {  	s20 =	simm.s32 $0x2300;
	s21 =	simm.s32 $0x4B00  }
0xa4: {  	[tilespmem:s21], [sflag:$0x1] =	stream.indirect.gather [hbm4b:s2+s10], $0x1, s20, s10, $0xb8;
	[tilespmem:$0x5200] =	vst v63  }
0xa5: {  	s20 =	simm.s32 $0x2380;
	s21 =	simm.s32 $0x4B80  }
0xa6: {  	[tilespmem:s21], [sflag:$0x1] =	stream.indirect.gather [hbm4b:s2+s10], $0x1, s20, s10, $0xb8;
	[tilespmem:$0x5200] =	vst v63  }
0xa7: {  	s20 =	simm.s32 $0x2400;
	s21 =	simm.s32 $0x4C00  }
0xa8: {  	[tilespmem:s21], [sflag:$0x1] =	stream.indirect.gather [hbm4b:s2+s10], $0x1, s20, s10, $0xb8;
	[tilespmem:$0x5200] =	vst v63  }
0xa9: {  	_ = 	snop  }
0xaa: {  	[tilespmem:s23], [sflag:$0x1] =	stream.indirect.gather [hbm4b:s2+s10], $0x1, s22, s10, $0xb8;
	[tilespmem:$0x5200] =	vst v63  }
0xab: {  	_ = 	snop  }
0xac: {  	[tilespmem:s25], [sflag:$0x1] =	stream.indirect.gather [hbm4b:s2+s10], $0x1, s24, s10, $0xb8;
	[tilespmem:$0x5200] =	vst v63  }
0xad: {  	_ = 	snop  }
0xae: {  	[tilespmem:s28], [sflag:$0x1] =	stream.indirect.gather [hbm4b:s2+s10], $0x1, s26, s10, $0xb8;
	[tilespmem:$0x5200] =	vst v63  }
0xaf: {  	_ = 	snop  }
0xb0: {  	[tilespmem:s30], [sflag:$0x1] =	stream.indirect.gather [hbm4b:s2+s10], $0x1, s29, s10, $0xb8;
	[tilespmem:$0x5200] =	vst v63  }
0xb1: {  	_ = 	snop  }
0xb2: {  	[tilespmem:s1], [sflag:$0x1] =	stream.indirect.gather [hbm4b:s2+s10], $0x1, s31, s10, $0xb8;
	[tilespmem:$0x5200] =	vst v63  }
0xb3: {  	_ = 	snop  }
0xb4: {  	[tilespmem:s11], [sflag:$0x1] =	stream.indirect.gather [hbm4b:s2+s10], $0x1, s0, s10, $0xb8;
	[tilespmem:$0x5200] =	vst v63  }
0xb5: {  	_ = 	snop  }
0xb6: {  	[tilespmem:s13], [sflag:$0x1] =	stream.indirect.gather [hbm4b:s2+s10], $0x1, s12, s10, $0xb8;
	[tilespmem:$0x5200] =	vst v63  }
0xb7: {  	_ =	swait.ge [sflag:s14], $0x2800  }
0xb8: {  	[sflag:s14] =	ssyncset.done $0x0  }
0xb9: {  	s19 =	simm.s32 $0x28A0;
	[sflag:s14] =	ssyncadd.s32 $0xFFFFD800  }
0xba: {  	v0 =	vld [tilespmem:s19+$0xFFFFFF70]  }
0xbb: {  	s18 =	simm.s32 $0x0;
	s20 =	simm.s32 $0x40;
	v1 =	vld [tilespmem:s19+$0xFFFFFF60]  }
.LBB2_2:
0xbc: {  	p0 =	sne.s32 s20, $0x7C0  }
0xbd: {  	v2 =	vld [tilespmem:s19+$0xFFFFFF80];
	_ =	sdelay $0x1  }
0xbe: {  	v3 =	vld [tilespmem:s19+$0xFFFFFF90]  }
0xbf: {  	v0 =	vadd.f32 v0, v1  }
0xc0: {  	v1 =	vld [tilespmem:s19+$0xFFFFFFA0]  }
0xc1: {  	v0 =	vadd.f32 v2, v0  }
0xc2: {  	v2 =	vld [tilespmem:s19+$0xFFFFFFB0]  }
0xc3: {  	v0 =	vadd.f32 v3, v0  }
0xc4: {  	v3 =	vld [tilespmem:s19+$0xFFFFFFC0]  }
0xc5: {  	v0 =	vadd.f32 v1, v0  }
0xc6: {  	v1 =	vld [tilespmem:s19+$0xFFFFFFD0]  }
0xc7: {  	v0 =	vadd.f32 v2, v0  }
0xc8: {  	v2 =	vld [tilespmem:s19+$0xFFFFFFE0]  }
0xc9: {  	v0 =	vadd.f32 v3, v0  }
0xca: {  	v3 =	vld [tilespmem:s19+$0xFFFFFFF0]  }
0xcb: {  	v0 =	vadd.f32 v1, v0  }
0xcc: {  	v1 =	vld [tilespmem:s19+$0x0]  }
0xcd: {  	v0 =	vadd.f32 v2, v0  }
0xce: {  	v2 =	vld [tilespmem:s19+$0x10]  }
0xcf: {  	v0 =	vadd.f32 v3, v0  }
0xd0: {  	v3 =	vld [tilespmem:s19+$0x20]  }
0xd1: {  	v0 =	vadd.f32 v1, v0  }
0xd2: {  	v1 =	vld [tilespmem:s19+$0x30]  }
0xd3: {  	v0 =	vadd.f32 v2, v0  }
0xd4: {  	v2 =	vld [tilespmem:s19+$0x40]  }
0xd5: {  	v0 =	vadd.f32 v3, v0  }
0xd6: {  	v3 =	vld [tilespmem:s19+$0x50]  }
0xd7: {  	v0 =	vadd.f32 v1, v0  }
0xd8: {  	v1 =	vld [tilespmem:s19+$0x60]  }
0xd9: {  	v0 =	vadd.f32 v2, v0  }
0xda: {  	v2 =	vld [tilespmem:s19+$0x70]  }
0xdb: {  	v0 =	vadd.f32 v3, v0  }
0xdc: {  	v3 =	vld [tilespmem:s19+$0x80]  }
0xdd: {  	v0 =	vadd.f32 v1, v0  }
0xde: {  	v1 =	vld [tilespmem:s19+$0x90]  }
0xdf: {  	v0 =	vadd.f32 v2, v0;
	_ =	sdelay $0x1  }
0xe0: {  	v0 =	vadd.f32 v3, v0;
	_ =	sdelay $0x1  }
0xe1: {  	v0 =	vadd.f32 v1, v0;
	_ =	sdelay $0x1  }
.Ltmp0:
0xe2: {  	v0 =	vmul.f32 $5.000000070e-02, v0;
	(pc) =	sbr.rel @p0 .LBB2_2-.Ltmp0, $4  }
0xe3: {  	s21 =	sshra.s32 s18, $0x2;
	s18 =	smov.u32 s20  }
0xe4: {  	s19 =	sadd.s32 $0x140, s19;
	[tilespmem:s21+$0x5000] =	vst v0  }
0xe5: {  	v0 =	vld [tilespmem:s19+$0xFFFFFF70]  }
0xe6: {  	s20 =	sadd.s32 $0x40, s20;
	v1 =	vld [tilespmem:s19+$0xFFFFFF60]  }
0xe7: {  	_ = 	snop  }
0xe8: {  	v2 =	vld [tilespmem:s19+$0xFFFFFF80];
	_ =	sdelay $0x1  }
0xe9: {  	v3 =	vld [tilespmem:s19+$0xFFFFFF90]  }
0xea: {  	v0 =	vadd.f32 v0, v1  }
0xeb: {  	v48 =	vld [tilespmem:s19+$0xFFFFFFA0]  }
0xec: {  	v0 =	vadd.f32 v2, v0  }
0xed: {  	v49 =	vld [tilespmem:s19+$0xFFFFFFB0]  }
0xee: {  	v0 =	vadd.f32 v3, v0  }
0xef: {  	v50 =	vld [tilespmem:s19+$0xFFFFFFC0]  }
0xf0: {  	v0 =	vadd.f32 v48, v0  }
0xf1: {  	v51 =	vld [tilespmem:s19+$0xFFFFFFD0]  }
0xf2: {  	v0 =	vadd.f32 v49, v0  }
0xf3: {  	v52 =	vld [tilespmem:s19+$0xFFFFFFE0]  }
0xf4: {  	v0 =	vadd.f32 v50, v0  }
0xf5: {  	v53 =	vld [tilespmem:s19+$0xFFFFFFF0]  }
0xf6: {  	v0 =	vadd.f32 v51, v0  }
0xf7: {  	v54 =	vld [tilespmem:s19+$0x0]  }
0xf8: {  	v0 =	vadd.f32 v52, v0  }
0xf9: {  	v55 =	vld [tilespmem:s19+$0x10]  }
0xfa: {  	v0 =	vadd.f32 v53, v0  }
0xfb: {  	v56 =	vld [tilespmem:s19+$0x20]  }
0xfc: {  	v0 =	vadd.f32 v54, v0  }
0xfd: {  	v57 =	vld [tilespmem:s19+$0x30]  }
0xfe: {  	v0 =	vadd.f32 v55, v0  }
0xff: {  	v58 =	vld [tilespmem:s19+$0x40]  }
0x100: {  	v0 =	vadd.f32 v56, v0  }
0x101: {  	v59 =	vld [tilespmem:s19+$0x50]  }
0x102: {  	v0 =	vadd.f32 v57, v0  }
0x103: {  	v60 =	vld [tilespmem:s19+$0x60]  }
0x104: {  	v0 =	vadd.f32 v58, v0  }
0x105: {  	v61 =	vld [tilespmem:s19+$0x70]  }
0x106: {  	v0 =	vadd.f32 v59, v0  }
0x107: {  	v62 =	vld [tilespmem:s19+$0x80]  }
0x108: {  	v0 =	vadd.f32 v60, v0  }
0x109: {  	v63 =	vld [tilespmem:s19+$0x90]  }
0x10a: {  	v0 =	vadd.f32 v61, v0;
	_ =	sdelay $0x1  }
0x10b: {  	v0 =	vadd.f32 v62, v0;
	_ =	sdelay $0x1  }
0x10c: {  	v0 =	vadd.f32 v63, v0;
	_ =	sdelay $0x1  }
0x10d: {  	s17 =	sadd.s32 $0x1, s17;
	v0 =	vmul.f32 $5.000000070e-02, v0  }
0x10e: {  	s18 =	sshra.s32 s18, $0x2;
	p0 =	sne.s32 s17, s7  }
.Ltmp1:
0x10f: {  	[tilespmem:s18+$0x5000] =	vst v0;
	(pc) =	sbr.rel @p0 .LBB2_1-.Ltmp1, $4  }
0x110: {  	[hbm4b:s6+s3] =	stream.linear.scatter [tilespmem:s15], [sflag:$0x3], $0x200, $0x38;
	[tilespmem:$0x5200] =	vst v63  }
0x111: {  	_ =	swait.ge [sflag:s16], $0x200  }
0x112: {  	[sflag:s16] =	ssyncset.done $0x0  }
0x113: {  	[sflag:s16] =	ssyncadd.s32 $0xFFFFFE00  }
0x114: {  	_ =	sfence.sel $0x180000  }
0x115: {  	[bflag:$0x0] =	sbarrier.arrive $0xFFFF  }
0x116: {  	_ =	strace $0x90000047  }
0x117: {  	s0 =	stileid.u32;
	[bflag:$0x2] =	sbarrier.arrive $0xFFFF  }
0x118: {  	p0 =	sne.s32 s0, $0x0;
	s0 =	rddreg [dreg:$0x2]  }
0x119: {  	s0 =	sadd.s32 @!p0 $0x100000, s0  }
0x11a: {  	[sflag:s0] =	ssyncadd.tile.s32 @!p0 $0x1;
	_ =	shalt  }
.Lfunc_end2:
_tile_overlayer_lowered:
.L_overlay_start_2:
0x11b: {  	(tag) =	ssettag $0x2  }
0x11c: {  	s0 =	rddreg [dreg:$0x0];
	s2 =	stileid.u32  }
0x11d: {  	s1 =	rddreg [dreg:$0x1];
	p0 =	sne.s32 s2, $0x0  }
0x11e: {  	s3 =	rddreg [dreg:$0x2];
	[bflag:$0x3] =	sbarrier.arrive $0xFFFF;
	s2 =	simm.s32 @!p0 $0x1C03  }
0x11f: {  	[timem:s3], [sflag:s2] =	dma.local @!p0 [hbm:s0], s1  }
0x120: {  	s0 =	simm.s32 @!p0 $0x3  }
0x121: {  	_ =	swait.ge @!p0 [sflag:s0], s1  }
0x122: {  	s1 =	ssub.s32 @!p0 $0x0, s1;
	[sflag:s0] =	ssyncset.done @!p0 $0x0  }
0x123: {  	[sflag:s0] =	ssyncadd.s32 @!p0 s1  }
0x124: {  	[bflag:$0x3] =	sbarrier.arrive $0xFFFF  }
0x125: {  	_ =	shalt  }

</sc_bundles>
